<compile_context>
chip_gen: v7x
topology: tpu7x:2x2x1
jax: 0.10.2.dev20260603
libtpu: 0.0.44.dev20260713+nightly
codegen_flags: <defaults>
</compile_context>

<pallas_src>
import functools

import jax
import jax.numpy as jnp
from jax import lax
from jax.experimental import pallas as pl
from jax.experimental.pallas import tpu as pltpu
from jax.experimental.pallas import tpu_sc as plsc

H_SMOOTH = 2.0
EPS = 0.001
EPS2 = 0.01
EPS3 = 0.001
BE = 6400

def _edge_body(rT, dVT, dWT, mb, fi_blk, fj_blk, SCL,
               pi_ref, pj_ref):
    fiT = jnp.transpose(fi_blk[...], (1, 0))
    fjT = jnp.transpose(fj_blk[...], (1, 0))
    rij = rT[...]
    r = jnp.sqrt(jnp.sum(rij * rij, axis=0, keepdims=True))
    e = rij / (r + 1e-8)

    vi = fiT[0:3, :]
    vj = fjT[0:3, :]
    invTi = fiT[4:5, :]
    invTj = fjT[4:5, :]
    p2i = fiT[5:6, :]
    p2j = fjT[5:6, :]
    invCi = fiT[6:7, :]
    invCj = fjT[6:7, :]
    invCTi = fiT[7:8, :]
    invCTj = fjT[7:8, :]

    vij = vi - vj
    ev = jnp.sum(e * vij, axis=0, keepdims=True)
    vv = jnp.sum(vij * vij, axis=0, keepdims=True)

    kB = SCL[0:1, 4:5]
    invm = SCL[0:1, 5:6]
    s2kB_invm = SCL[0:1, 6:7]

    mbv = mb[...]
    Ai, Aj, Aie, Aje = mbv[0:1], mbv[1:2], mbv[2:3], mbv[3:4]
    Bi, Bj, Bie, Bje = mbv[4:5], mbv[5:6], mbv[6:7], mbv[7:8]
    Ci, Cj, Cie, Cje = mbv[8:9], mbv[9:10], mbv[10:11], mbv[11:12]
    dW_dr = (mbv[12:13] - mbv[13:14]) / (2 * EPS)
    gW = dW_dr * e

    Aij = Ai * Aj
    Bij = Bi * Bj
    Cij = Ci * Cj
    gA_i = 2.0 * Aij * (Aie * Aj - Aij) / EPS3
    gB_i = 2.0 * Bij * (Bie * Bj - Bij) / EPS3
    gC_i = 2.0 * Cij * (Cie * Cj - Cij) / EPS3
    gA_j = 2.0 * Aij * (Ai * Aje - Aij) / EPS3
    gB_j = 2.0 * Bij * (Bi * Bje - Bij) / EPS3
    gC_j = 2.0 * Cij * (Ci * Cje - Cij) / EPS3

    A2 = Aij * Aij
    B2 = Bij * Bij
    C2 = Cij * Cij

    termPd = (p2i + p2j) * gW
    aux = A2 / 2 * vij + (A2 / 2 + (B2 - A2) / 3.0) * ev * e
    term = (invTi + invTj) * aux
    term1 = -(invCTi + invCTj) * aux
    term2 = ((gA_i / 2 * vij + (gA_i / 2 + (gB_i - gA_i) / 3.0) * ev * e)
             * invCi
             + (gA_j / 2 * vij + (gA_j / 2 + (gB_j - gA_j) / 3.0) * ev * e)
             * invCj)
    msg_v = termPd + 0.5 * term + 0.5 * kB * (term1 + term2)
    pvec_i = -invm * msg_v
    pvec_j = invm * msg_v

    aux2 = (A2 / 2 * vv + (A2 / 2 + (B2 - A2) / 3.0) * ev * ev) / 4
    t1 = -(2 * invCTi + invCTj) * aux2
    t2 = ((gA_i / 2 * vv + (gA_i / 2 + (gB_i - gA_i) / 3.0) * ev * ev)
          * invCi / 4
          + (gA_j / 2 * vv + (gA_j / 2 + (gB_j - gA_j) / 3.0) * ev * ev)
          * invCj / 4)
    t4 = -(2 * invCTi - invCTj) * C2
    t5 = gC_i * invCi - gC_j * invCj
    t6 = -(4.0 * A2 / 2 + (B2 - A2) / 3.0)
    common = (invTi + invTj) * aux2 + kB * (t1 + t2 + t6 * invm)
    anti = (invTi - invTj) * C2 + kB * (t4 + t5)
    ps_i = common + anti
    ps_j = common - anti

    dw = dWT[...]
    tr3 = (dw[0:1] + dw[4:5] + dw[8:9]) / 3.0
    q01 = (dw[1:2] + dw[3:4]) * 0.5
    q02 = (dw[2:3] + dw[6:7]) * 0.5
    q12 = (dw[5:6] + dw[7:8]) * 0.5
    e0 = e[0:1]
    e1 = e[1:2]
    e2 = e[2:3]
    sde0 = dw[0:1] * e0 + q01 * e1 + q02 * e2
    sde1 = q01 * e0 + dw[4:5] * e1 + q12 * e2
    sde2 = q02 * e0 + q12 * e1 + dw[8:9] * e2
    symdote = jnp.concatenate([sde0, sde1, sde2], axis=0)
    wterm = Aij * symdote + (Bij - Aij) * tr3 * e
    pw_i = s2kB_invm * wterm
    pw_j = -pw_i

    st = -0.5 * jnp.sum(wterm * vij, axis=0, keepdims=True)
    sc = Cij * dVT[...]
    pt_i = st + sc
    pt_j = st - sc

    pi_ref[...] = jnp.transpose(
        jnp.concatenate([pvec_i, ps_i, pw_i, pt_i], axis=0), (1, 0))
    pj_ref[...] = jnp.transpose(
        jnp.concatenate([pvec_j, ps_j, pw_j, pt_j], axis=0), (1, 0))


_SC_NC = 2
_SC_NS = 16
_SC_NW = _SC_NC * _SC_NS


@functools.lru_cache(maxsize=None)
def _make_sc_scatter(EP, GW, NACC):
    CH = GW * 128
    SUBROWS = NACC // _SC_NS
    mesh = plsc.VectorSubcoreMesh(core_axis_name="c", subcore_axis_name="s")

    @functools.partial(
        pl.kernel, mesh=mesh,
        compiler_params=pltpu.CompilerParams(use_tc_tiling_on_sc=False),
        out_type=jax.ShapeDtypeStruct((_SC_NC, NACC, 8), jnp.float32),
        scratch_types=[
            pltpu.VMEM((GW, 128), jnp.int32),
            pltpu.VMEM((CH, 8), jnp.float32),
            pltpu.VMEM_SHARED((NACC, 8), jnp.float32),
        ],
    )
    def scat(pi_hbm, pj_hbm, idx_hbm, zeros_hbm, out_hbm,
             idx_v, pay_v, acc_sh):
        c = lax.axis_index("c")
        s = lax.axis_index("s")
        wid = s * _SC_NC + c
        pltpu.sync_copy(zeros_hbm.at[pl.ds(s * SUBROWS, SUBROWS)],
                        acc_sh.at[pl.ds(s * SUBROWS, SUBROWS)])
        plsc.subcore_barrier()

        def one_stream(t, pay_hbm):
            pltpu.sync_copy(idx_hbm.at[t, pl.ds(wid * GW, GW)], idx_v)
            pltpu.sync_copy(pay_hbm.at[pl.ds(wid * CH, CH)], pay_v)

            def body(g, _):
                pltpu.sync_copy(pay_v.at[pl.ds(g * 128, 128)],
                                acc_sh.at[idx_v.at[g]], add=True)
                return _

            lax.fori_loop(0, GW, body, None)

        one_stream(0, pi_hbm)
        one_stream(1, pj_hbm)
        plsc.subcore_barrier()
        pltpu.sync_copy(acc_sh.at[pl.ds(s * SUBROWS, SUBROWS)],
                        out_hbm.at[c, pl.ds(s * SUBROWS, SUBROWS)])

    return scat


@functools.lru_cache(maxsize=None)
def _make_sc_gather(TOT, GPW):
    CH = GPW * 128

    @functools.partial(
        pl.kernel,
        mesh=plsc.VectorSubcoreMesh(core_axis_name="c", subcore_axis_name="s"),
        compiler_params=pltpu.CompilerParams(use_tc_tiling_on_sc=False),
        out_type=jax.ShapeDtypeStruct((TOT, 8), jnp.float32),
        scratch_types=[
            pltpu.VMEM((GPW, 128), jnp.int32),
            pltpu.VMEM((CH, 8), jnp.float32),
        ],
    )
    def gath(tab_hbm, idx_hbm, out_hbm, idx_v, rows_v):
        c = lax.axis_index("c")
        s = lax.axis_index("s")
        wid = s * _SC_NC + c
        pltpu.sync_copy(idx_hbm.at[wid], idx_v)

        def body(g, _):
            pltpu.sync_copy(tab_hbm.at[idx_v.at[g]],
                            rows_v.at[pl.ds(g * 128, 128)])
            return _

        lax.fori_loop(0, GPW, body, None)
        pltpu.sync_copy(rows_v, out_hbm.at[pl.ds(wid * CH, CH)])

    return gath


def _mono_ref(ps, x):
    t = jnp.array([1.0, -1.0], dtype=x.dtype)
    n = len(ps)
    for idx in range(n):
        W, b = ps[idx]
        Wm = jnp.abs(W) * t if idx == 0 else jnp.abs(W)
        x = x @ Wm.T + b
        if idx < n - 1:
            x = jax.nn.softplus(x)
    return x


def _mlp_ref(ps, x):
    n = len(ps)
    for idx in range(n):
        W, b = ps[idx]
        x = x @ W.T + b
        if idx < n - 1:
            x = jax.nn.silu(x)
    return x


def kernel(v, edge_index, r_ij, S, d, dW, dV, params):
    N = v.shape[0]
    E = edge_index.shape[1]
    i = edge_index[0]
    j = edge_index[1]
    kB = jnp.exp(params['log_k_B'])
    m = jnp.exp(params['log_m'])
    invm = 1.0 / m
    s2kB = jnp.sqrt(2 * kB)

    V = 1.0 / d
    S_perturb = jnp.concatenate([S, S + EPS2, S, S - EPS2], axis=0)
    V_perturb = jnp.concatenate([V, V, V + EPS2, V], axis=0)
    U_cat = _mono_ref(params['U'],
                      jnp.concatenate([S_perturb, V_perturb], axis=-1))
    U = U_cat[0:N]
    U_Splus = U_cat[N:2 * N]
    U_Vplus = U_cat[2 * N:3 * N]
    U_Sminus = U_cat[3 * N:4 * N]
    T = (U_Splus - U) / EPS2
    P = -(U_Vplus - U) / EPS2
    C = T * EPS2 ** 2 / (U_Splus - 2 * U + U_Sminus)
    invT = 1.0 / T
    p2 = P / d ** 2
    invC = 1.0 / C
    invCT = 1.0 / C / T

    F = jnp.concatenate([v, T, invT, p2, invC, invCT], axis=1)
    E2 = 2 * E
    GPW = -(-E2 // (_SC_NW * 128))
    TOT = _SC_NW * GPW * 128
    ij_g = jnp.concatenate(
        [i, j, jnp.zeros((TOT - E2,), jnp.int32)]).reshape(_SC_NW, GPW, 128)
    g_rows = _make_sc_gather(TOT, GPW)(F, ij_g)

    rT = r_ij.T
    dWT = dW.reshape(E, 9).T
    dVT = dV.T

    r_ = jnp.sqrt(jnp.sum(r_ij * r_ij, axis=-1, keepdims=True))
    T_i = T[i]
    T_j = T[j]
    T_cat = jnp.concatenate([T_i, T_j, T_i + EPS3, T_j + EPS3], axis=0)
    r_cat = jnp.tile(r_ / H_SMOOTH, (4, 1))
    xin = jnp.concatenate([r_cat, T_cat], axis=-1)
    A_cat = _mlp_ref(params['A'], xin)
    B_cat = _mlp_ref(params['B'], xin)
    C_cat = _mlp_ref(params['C'], xin)
    r_perturb = jnp.concatenate([r_ + EPS, r_ - EPS], axis=0)
    s_w = r_perturb / H_SMOOTH
    W_ij_perturb = jnp.exp(_mlp_ref(params['W'], s_w)) * (1.0 - s_w ** 2)
    MB = jnp.concatenate([A_cat.reshape(4, E), B_cat.reshape(4, E),
                          C_cat.reshape(4, E), W_ij_perturb.reshape(2, E)],
                         axis=0)

    SCL = jnp.stack([jnp.float32(0.0), jnp.float32(0.0), jnp.float32(0.0),
                     jnp.float32(0.0), kB, invm, s2kB * invm,
                     jnp.float32(0.0)]).reshape(1, 8)

    nblk = E // BE
    EP = ((E + 5119) // 5120) * 5120
    full = lambda n: (0, n)
    rows = lambda n: (n, 0)
    fix = lambda n: (0, 0)
    pi_rows, pj_rows = pl.pallas_call(
        _edge_body,
        grid=(nblk,),
        in_specs=[
            pl.BlockSpec((3, BE), full),
            pl.BlockSpec((1, BE), full),
            pl.BlockSpec((9, BE), full),
            pl.BlockSpec((14, BE), full),
            pl.BlockSpec((BE, 8), rows),
            pl.BlockSpec((BE, 8), lambda n: (nblk + n, 0)),
            pl.BlockSpec((1, 8), fix),
        ],
        out_specs=[pl.BlockSpec((BE, 8), rows),
                   pl.BlockSpec((BE, 8), rows)],
        out_shape=[jax.ShapeDtypeStruct((EP, 8), jnp.float32),
                   jax.ShapeDtypeStruct((EP, 8), jnp.float32)],
    )(rT, dVT, dWT, MB, g_rows, g_rows, SCL)

    NACC = ((N + 1 + 127) // 128) * 128
    GW = EP // 128 // _SC_NW
    pad = jnp.full((EP - E,), N, jnp.int32)
    ij = jnp.stack([jnp.concatenate([i, pad]),
                    jnp.concatenate([j, pad])]).reshape(2, EP // 128, 128)
    zeros_acc = jnp.zeros((NACC, 8), jnp.float32)
    partials = _make_sc_scatter(EP, GW, NACC)(pi_rows, pj_rows, ij, zeros_acc)
    acc = partials[0, :N] + partials[1, :N]
    out = jnp.concatenate([acc[:, 0:3],
                           acc[:, 3:4] * invT,
                           acc[:, 4:7],
                           acc[:, 7:8] * (s2kB * invT)], axis=1)
    return out

# --- scband reference (transcript-rebuilt; emitter-appended) ---
"""Pipeline reference for scband-cg-model-jit-48911087567271 (READ-ONLY COPY).

The authoritative reference and input builder live on the scoring server;
editing this copy changes nothing except your own understanding.
"""

import jax, jax.numpy as jnp
import numpy as np

H_SMOOTH = 2.0
DIM = 3

def _dot(a, b):
    return jnp.sum(a * b, axis=-1, keepdims=True)

def _mlp(ps, x):
    n = len(ps)
    for idx in range(n):
        W, b = ps[idx]
        x = x @ W.T + b
        if idx < n - 1:
            x = jax.nn.silu(x)
    return x

def _mono(ps, x):
    t = jnp.array([1.0, -1.0], dtype=x.dtype)
    n = len(ps)
    for idx in range(n):
        W, b = ps[idx]
        Wm = jnp.abs(W) * t if idx == 0 else jnp.abs(W)
        x = x @ Wm.T + b
        if idx < n - 1:
            x = jax.nn.softplus(x)
    return x

def _kernel_W(ps, r):
    s = r / H_SMOOTH
    return jnp.exp(_mlp(ps, s)) * (1.0 - s ** 2)

def _forward(v, r_ij, S, d, dW, dV, params, edge_index):
    N = v.shape[0]
    E = edge_index.shape[1]
    Dd = DIM
    i = edge_index[0]
    j = edge_index[1]
    k_B = jnp.exp(params['log_k_B'])
    m = jnp.exp(params['log_m'])
    def scat(vals, idx, dim):
        return jnp.zeros((N, dim), vals.dtype).at[idx].add(vals)
    v_ij = v[i] - v[j]
    r_ = jnp.sqrt(_dot(r_ij, r_ij))
    e_ij = r_ij / (r_ + 1e-8)
    EPS = 0.001
    r_perturb = jnp.concatenate([r_ + EPS, r_ - EPS], axis=0)
    W_ij_perturb = _kernel_W(params['W'], r_perturb)
    W_plus = W_ij_perturb[0:E]
    W_minus = W_ij_perturb[E:2 * E]
    dW_dr = (W_plus - W_minus) / (2 * EPS)
    grad_W_ij = dW_dr * e_ij
    grad_W_ji = -grad_W_ij
    V = 1.0 / d
    EPS2 = 0.01
    S_perturb = jnp.concatenate([S, S + EPS2, S, S - EPS2], axis=0)
    V_perturb = jnp.concatenate([V, V, V + EPS2, V], axis=0)
    U_cat = _mono(params['U'], jnp.concatenate([S_perturb, V_perturb], axis=-1))
    U = U_cat[0:N]
    U_Splus = U_cat[N:2 * N]
    U_Vplus = U_cat[2 * N:3 * N]
    U_Sminus = U_cat[3 * N:4 * N]
    T = (U_Splus - U) / EPS2
    P = -(U_Vplus - U) / EPS2
    C = T * EPS2 ** 2 / (U_Splus - 2 * U + U_Sminus)
    termPd = P[i] / d[i] ** 2 * grad_W_ij - P[j] / d[j] ** 2 * grad_W_ji
    gradP_d = scat(termPd, i, Dd) - scat(termPd, j, Dd)
    T_i = T[i]
    T_j = T[j]
    EPS3 = 0.001
    T_cat = jnp.concatenate([T_i, T_j, T_i + EPS3, T_j + EPS3], axis=0)
    r_cat = jnp.tile(r_ / H_SMOOTH, (4, 1))
    xin = jnp.concatenate([r_cat, T_cat], axis=-1)
    A_cat = _mlp(params['A'], xin)
    B_cat = _mlp(params['B'], xin)
    C_cat = _mlp(params['C'], xin)
    A_i, A_j, A_i_eps, A_j_eps = A_cat[0:E], A_cat[E:2 * E], A_cat[2 * E:3 * E], A_cat[3 * E:4 * E]
    B_i, B_j, B_i_eps, B_j_eps = B_cat[0:E], B_cat[E:2 * E], B_cat[2 * E:3 * E], B_cat[3 * E:4 * E]
    C_i, C_j, C_i_eps, C_j_eps = C_cat[0:E], C_cat[E:2 * E], C_cat[2 * E:3 * E], C_cat[3 * E:4 * E]
    A_ij = A_i * A_j
    B_ij = B_i * B_j
    C_ij = C_i * C_j
    gradA_T_i = 2.0 * A_ij * (A_i_eps * A_j - A_ij) / EPS3
    gradB_T_i = 2.0 * B_ij * (B_i_eps * B_j - B_ij) / EPS3
    gradC_T_i = 2.0 * C_ij * (C_i_eps * C_j - C_ij) / EPS3
    gradA_T_j = 2.0 * A_ij * (A_i * A_j_eps - A_ij) / EPS3
    gradB_T_j = 2.0 * B_ij * (B_i * B_j_eps - B_ij) / EPS3
    gradC_T_j = 2.0 * C_ij * (C_i * C_j_eps - C_ij) / EPS3
    ev = _dot(e_ij, v_ij)
    aux = A_ij ** 2 / 2 * v_ij + (A_ij ** 2 / 2 + (B_ij ** 2 - A_ij ** 2) / Dd) * ev * e_ij
    term = (1.0 / T_i + 1.0 / T_j) * aux
    MgradS_v = -0.5 * (scat(term, i, Dd) - scat(term, j, Dd))
    term1 = -(1 / C[i] / T_i + 1 / C[j] / T_j) * aux
    term2 = (gradA_T_i / 2 * v_ij + (gradA_T_i / 2 + (gradB_T_i - gradA_T_i) / Dd) * ev * e_ij) / C[i] + (gradA_T_j / 2 * v_ij + (gradA_T_j / 2 + (gradB_T_j - gradA_T_j) / Dd) * ev * e_ij) / C[j]
    divM_v = -0.5 * (scat(term1 + term2, i, Dd) - scat(term1 + term2, j, Dd))
    vv = _dot(v_ij, v_ij)
    aux2 = (A_ij ** 2 / 2 * vv + (A_ij ** 2 / 2 + (B_ij ** 2 - A_ij ** 2) / Dd) * ev ** 2) / 4
    MgradS_S = scat((1 / T_i + 1 / T_j) * aux2 + (1 / T_i - 1 / T_j) * C_ij ** 2, i, 1) + scat((1 / T_j + 1 / T_i) * aux2 + (1 / T_j - 1 / T_i) * C_ij ** 2, j, 1)
    t1 = -(2 / C[i] / T_i + 1 / C[j] / T_j) * aux2
    t2 = (gradA_T_i / 2 * vv + (gradA_T_i / 2 + (gradB_T_i - gradA_T_i) / Dd) * ev ** 2) / C[i] / 4 + (gradA_T_j / 2 * vv + (gradA_T_j / 2 + (gradB_T_j - gradA_T_j) / Dd) * ev ** 2) / C[j] / 4
    t4 = -(2 / C[i] / T_i - 1 / C[j] / T_j) * C_ij ** 2
    t5 = gradC_T_i / C[i] - gradC_T_j / C[j]
    t6 = -((Dd + 1) * A_ij ** 2 / 2 + (B_ij ** 2 - A_ij ** 2) / Dd)
    divM_S = scat(t1 + t2 + t4 + t5 + t6 / m, i, 1) + scat(t1 + t2 - t4 - t5 + t6 / m, j, 1)
    dvdt = (-gradP_d + MgradS_v + k_B * divM_v) / m
    dSdt = (MgradS_S + k_B * divM_S) / T
    tr = jnp.einsum('eii->e', dW)
    eye = jnp.eye(Dd, dtype=dW.dtype)
    tr_dW = tr[:, None, None] * eye
    dW_bar = (dW + jnp.swapaxes(dW, -1, -2)) / 2 - tr_dW / Dd
    wterm = jnp.einsum('eij,ej->ei', A_ij[..., None] * dW_bar + B_ij[..., None] * tr_dW / Dd, e_ij)
    dv_tilde = jnp.sqrt(2 * k_B) / m * (scat(wterm, i, Dd) - scat(wterm, j, Dd))
    st = -0.5 * _dot(wterm, v_ij)
    s1 = scat(st, i, 1) + scat(st, j, 1)
    sc = C_ij * dV
    s2 = scat(sc, i, 1) - scat(sc, j, 1)
    dS_tilde = jnp.sqrt(2 * k_B) / T * (s1 + s2)
    return jnp.concatenate([dvdt, dSdt, dv_tilde, dS_tilde], axis=-1)

def _init_layers(key, dims):
    ps = []
    for k in range(len(dims) - 1):
        key, k1, k2 = jax.random.split(key, 3)
        W = jax.random.normal(k1, (dims[k + 1], dims[k]), jnp.float32) * (0.5 / np.sqrt(dims[k]))
        b = jax.random.normal(k2, (dims[k + 1],), jnp.float32) * 0.01
        ps.append((W, b))
    return ps

def setup_inputs(seed: int = 0):
    N, E, D, H = 10000, 160000, 3, 32
    key = jax.random.key(seed)
    ks = jax.random.split(key, 8)
    v = jax.random.normal(ks[0], (N, D), jnp.float32)
    edge_index = jax.random.randint(ks[1], (2, E), 0, N, jnp.int32)
    r_ij = jax.random.normal(ks[2], (E, D), jnp.float32) * 0.5
    S = 1.0 + 0.1 * jax.random.normal(ks[3], (N, 1), jnp.float32)
    d = jax.random.uniform(ks[4], (N, 1), jnp.float32, 0.5, 1.5)
    dW = jax.random.normal(ks[5], (E, D, D), jnp.float32)
    dV = jax.random.normal(ks[6], (E, 1), jnp.float32)
    kp = jax.random.key(1)
    params = {
        'W': _init_layers(jax.random.fold_in(kp, 0), [1, H, H, 1]),
        'U': _init_layers(jax.random.fold_in(kp, 1), [2, H, H, 1]),
        'A': _init_layers(jax.random.fold_in(kp, 2), [2, H, H, 1]),
        'B': _init_layers(jax.random.fold_in(kp, 3), [2, H, H, 1]),
        'C': _init_layers(jax.random.fold_in(kp, 4), [2, H, H, 1]),
        'log_k_B': jnp.array(0.0, jnp.float32),
        'log_m': jnp.array(0.0, jnp.float32),
    }
    return {'v': v, 'edge_index': edge_index, 'r_ij': r_ij, 'S': S, 'd': d, 'dW': dW, 'dV': dV, 'params': params}

def reference(v, edge_index, r_ij, S, d, dW, dV, params):
    return _forward(v, r_ij, S, d, dW, dV, params, edge_index)

if __name__ == "__main__":
    import jax
    _d = setup_inputs()
    print(jax.jit(kernel)(*tuple(_d.values())))

</pallas_src>

<mosaic_0001>
#map = affine_map<(d0, d1) -> (0, 0)>
#map1 = affine_map<(d0, d1) -> (0, 0, 0)>
module attributes {stable_mosaic.version = 14 : i64} {
  func.func @gath(%arg0: i32, %arg1: i32, %arg2: memref<10000x8xf32, #tpu.memory_space<hbm>>, %arg3: memref<32x79x128xi32, #tpu.memory_space<hbm>>, %arg4: memref<323584x8xf32, #tpu.memory_space<hbm>>, %arg5: memref<79x128xi32, #tpu.memory_space<vmem>>, %arg6: memref<10112x8xf32, #tpu.memory_space<vmem>>) attributes {dimension_semantics = [#tpu.dimension_semantics<core_parallel>, #tpu.dimension_semantics<subcore_parallel>], iteration_bounds = array<i64: 2, 16>, scalar_prefetch = 0 : i64, scratch_operands = 2 : i64, tpu.core_type = #tpu.core_type<sc_vector_subcore>, window_params = [{transform_indices = #map}, {transform_indices = #map1}, {transform_indices = #map}]} {
    %mul3A = arith.constant 2 : i32
    %mul3A_0 = arith.muli %arg1, %mul3A : i32
    %add3A = arith.addi %mul3A_0, %arg0 : i32
    "tpu.region"() ({
      %run_scoped3A = tpu.sem_alloc : memref<!tpu.dma_semaphore, #tpu.memory_space<semaphore_mem>>
      %dma_start3A = arith.constant 0 : i32
      %dma_start3A_7 = arith.constant 0 : i32
      %dma_start3A_8 = tpu.memref_slice %arg3[%add3A, %dma_start3A, %dma_start3A_7] : memref<32x79x128xi32, #tpu.memory_space<hbm>> -> memref<1x79x128xi32, #tpu.memory_space<hbm>>
      %dma_start3A_9 = tpu.memref_squeeze %dma_start3A_8 : memref<1x79x128xi32, #tpu.memory_space<hbm>> -> memref<79x128xi32, #tpu.memory_space<hbm>>
      %dma_start3A_10 = arith.constant 0 : i32
      %dma_start3A_11 = arith.constant 0 : i32
      %dma_start3A_12 = tpu.memref_slice %arg3[%add3A, %dma_start3A_10, %dma_start3A_11] : memref<32x79x128xi32, #tpu.memory_space<hbm>> -> memref<1x79x128xi32, #tpu.memory_space<hbm>>
      %dma_start3A_13 = tpu.memref_squeeze %dma_start3A_12 : memref<1x79x128xi32, #tpu.memory_space<hbm>> -> memref<79x128xi32, #tpu.memory_space<hbm>>
      tpu.enqueue_dma source(%dma_start3A_13 : memref<79x128xi32, #tpu.memory_space<hbm>>) target(%arg5 : memref<79x128xi32, #tpu.memory_space<vmem>>) target_semaphore(%run_scoped3A : memref<!tpu.dma_semaphore, #tpu.memory_space<semaphore_mem>>)
      %dma_wait3A = arith.constant 0 : i32
      %dma_wait3A_14 = arith.constant 0 : i32
      %dma_wait3A_15 = tpu.memref_slice %arg3[%add3A, %dma_wait3A, %dma_wait3A_14] : memref<32x79x128xi32, #tpu.memory_space<hbm>> -> memref<1x79x128xi32, #tpu.memory_space<hbm>>
      %dma_wait3A_16 = tpu.memref_squeeze %dma_wait3A_15 : memref<1x79x128xi32, #tpu.memory_space<hbm>> -> memref<79x128xi32, #tpu.memory_space<hbm>>
      %dma_wait3A_17 = arith.constant 0 : i32
      %dma_wait3A_18 = arith.constant 0 : i32
      %dma_wait3A_19 = tpu.memref_slice %arg3[%add3A, %dma_wait3A_17, %dma_wait3A_18] : memref<32x79x128xi32, #tpu.memory_space<hbm>> -> memref<1x79x128xi32, #tpu.memory_space<hbm>>
      %dma_wait3A_20 = tpu.memref_squeeze %dma_wait3A_19 : memref<1x79x128xi32, #tpu.memory_space<hbm>> -> memref<79x128xi32, #tpu.memory_space<hbm>>
      tpu.wait_dma2 semaphore(%run_scoped3A : memref<!tpu.dma_semaphore, #tpu.memory_space<semaphore_mem>>) src(%dma_wait3A_20 : memref<79x128xi32, #tpu.memory_space<hbm>>) dst(%arg5 : memref<79x128xi32, #tpu.memory_space<vmem>>)
      tpu.yield
    }) : () -> ()
    %scan3A = arith.constant 0 : i32
    %scan3A_1 = arith.constant 79 : i32
    %scan3A_2 = arith.addi %scan3A, %scan3A_1 : i32
    %scan3A_3 = arith.constant 1 : i32
    scf.for %scan3A_7 = %scan3A to %scan3A_2 step %scan3A_3  : i32 {
      %mul3A_8 = arith.constant 128 : i32
      %mul3A_9 = arith.muli %scan3A_7, %mul3A_8 : i32
      "tpu.region"() ({
        %run_scoped3A = tpu.sem_alloc : memref<!tpu.dma_semaphore, #tpu.memory_space<semaphore_mem>>
        %dma_start3A = arith.constant 0 : i32
        %dma_start3A_10 = tpu.memref_slice %arg6[%mul3A_9, %dma_start3A] : memref<10112x8xf32, #tpu.memory_space<vmem>> -> memref<128x8xf32, #tpu.memory_space<vmem>>
        %dma_start3A_11 = arith.constant 0 : i32
        %dma_start3A_12 = tpu.memref_slice %arg5[%scan3A_7, %dma_start3A_11] : memref<79x128xi32, #tpu.memory_space<vmem>> -> memref<1x128xi32, #tpu.memory_space<vmem>>
        %dma_start3A_13 = tpu.memref_squeeze %dma_start3A_12 : memref<1x128xi32, #tpu.memory_space<vmem>> -> memref<128xi32, #tpu.memory_space<vmem>>
        %dma_start3A_14 = arith.constant 0 : i32
        %dma_start3A_15 = arith.constant 0 : i32
        %dma_start3A_16 = tpu.memref_slice %arg2[%dma_start3A_14, %dma_start3A_15] : memref<10000x8xf32, #tpu.memory_space<hbm>> -> memref<10000x8xf32, #tpu.memory_space<hbm>>
        tpu.enqueue_indirect_dma source(%dma_start3A_16 : memref<10000x8xf32, #tpu.memory_space<hbm>>) target(%dma_start3A_10 : memref<128x8xf32, #tpu.memory_space<vmem>>) offsets(%dma_start3A_13 : memref<128xi32, #tpu.memory_space<vmem>>) semaphore(%run_scoped3A : memref<!tpu.dma_semaphore, #tpu.memory_space<semaphore_mem>>)
        %dma_wait3A = arith.constant 0 : i32
        %dma_wait3A_17 = tpu.memref_slice %arg6[%mul3A_9, %dma_wait3A] : memref<10112x8xf32, #tpu.memory_space<vmem>> -> memref<128x8xf32, #tpu.memory_space<vmem>>
        %dma_wait3A_18 = arith.constant 0 : i32
        %dma_wait3A_19 = tpu.memref_slice %arg5[%scan3A_7, %dma_wait3A_18] : memref<79x128xi32, #tpu.memory_space<vmem>> -> memref<1x128xi32, #tpu.memory_space<vmem>>
        %dma_wait3A_20 = tpu.memref_squeeze %dma_wait3A_19 : memref<1x128xi32, #tpu.memory_space<vmem>> -> memref<128xi32, #tpu.memory_space<vmem>>
        %dma_wait3A_21 = arith.constant 0 : i32
        %dma_wait3A_22 = arith.constant 0 : i32
        %dma_wait3A_23 = tpu.memref_slice %arg2[%dma_wait3A_21, %dma_wait3A_22] : memref<10000x8xf32, #tpu.memory_space<hbm>> -> memref<10000x8xf32, #tpu.memory_space<hbm>>
        tpu.wait_indirect_dma semaphore(%run_scoped3A : memref<!tpu.dma_semaphore, #tpu.memory_space<semaphore_mem>>) src(%dma_wait3A_23 : memref<10000x8xf32, #tpu.memory_space<hbm>>) dst(%dma_wait3A_17 : memref<128x8xf32, #tpu.memory_space<vmem>>)
        tpu.yield
      }) : () -> ()
    }
    %scan3A_4 = arith.constant 79 : i32
    %mul3A_5 = arith.constant 10112 : i32
    %mul3A_6 = arith.muli %add3A, %mul3A_5 : i32
    "tpu.region"() ({
      %run_scoped3A = tpu.sem_alloc : memref<!tpu.dma_semaphore, #tpu.memory_space<semaphore_mem>>
      %dma_start3A = arith.constant 0 : i32
      %dma_start3A_7 = tpu.memref_slice %arg4[%mul3A_6, %dma_start3A] : memref<323584x8xf32, #tpu.memory_space<hbm>> -> memref<10112x8xf32, #tpu.memory_space<hbm>>
      %dma_start3A_8 = arith.constant 0 : i32
      %dma_start3A_9 = tpu.memref_slice %arg4[%mul3A_6, %dma_start3A_8] : memref<323584x8xf32, #tpu.memory_space<hbm>> -> memref<10112x8xf32, #tpu.memory_space<hbm>>
      tpu.enqueue_dma source(%arg6 : memref<10112x8xf32, #tpu.memory_space<vmem>>) target(%dma_start3A_9 : memref<10112x8xf32, #tpu.memory_space<hbm>>) target_semaphore(%run_scoped3A : memref<!tpu.dma_semaphore, #tpu.memory_space<semaphore_mem>>)
      %dma_wait3A = arith.constant 0 : i32
      %dma_wait3A_10 = tpu.memref_slice %arg4[%mul3A_6, %dma_wait3A] : memref<323584x8xf32, #tpu.memory_space<hbm>> -> memref<10112x8xf32, #tpu.memory_space<hbm>>
      %dma_wait3A_11 = arith.constant 0 : i32
      %dma_wait3A_12 = tpu.memref_slice %arg4[%mul3A_6, %dma_wait3A_11] : memref<323584x8xf32, #tpu.memory_space<hbm>> -> memref<10112x8xf32, #tpu.memory_space<hbm>>
      tpu.wait_dma2 semaphore(%run_scoped3A : memref<!tpu.dma_semaphore, #tpu.memory_space<semaphore_mem>>) src(%arg6 : memref<10112x8xf32, #tpu.memory_space<vmem>>) dst(%dma_wait3A_12 : memref<10112x8xf32, #tpu.memory_space<hbm>>)
      tpu.yield
    }) : () -> ()
    return
  }
}

#map = affine_map<(d0, d1) -> (0, 0)>
#map1 = affine_map<(d0, d1) -> (0, 0, 0)>
module attributes {stable_mosaic.version = 14 : i64} {
  func.func @scat(%arg0: i32, %arg1: i32, %arg2: memref<163840x8xf32, #tpu.memory_space<hbm>>, %arg3: memref<163840x8xf32, #tpu.memory_space<hbm>>, %arg4: memref<2x1280x128xi32, #tpu.memory_space<hbm>>, %arg5: memref<10112x8xf32, #tpu.memory_space<hbm>>, %arg6: memref<2x10112x8xf32, #tpu.memory_space<hbm>>, %arg7: memref<40x128xi32, #tpu.memory_space<vmem>>, %arg8: memref<5120x8xf32, #tpu.memory_space<vmem>>, %arg9: memref<10112x8xf32, #tpu.memory_space<vmem_shared>>) attributes {dimension_semantics = [#tpu.dimension_semantics<core_parallel>, #tpu.dimension_semantics<subcore_parallel>], iteration_bounds = array<i64: 2, 16>, scalar_prefetch = 0 : i64, scratch_operands = 3 : i64, tpu.core_type = #tpu.core_type<sc_vector_subcore>, window_params = [{transform_indices = #map}, {transform_indices = #map}, {transform_indices = #map1}, {transform_indices = #map}, {transform_indices = #map1}]} {
    %mul3A = arith.constant 2 : i32
    %mul3A_0 = arith.muli %arg1, %mul3A : i32
    %add3A = arith.addi %mul3A_0, %arg0 : i32
    %mul3A_1 = arith.constant 632 : i32
    %mul3A_2 = arith.muli %arg1, %mul3A_1 : i32
    %mul3A_3 = arith.constant 632 : i32
    %mul3A_4 = arith.muli %arg1, %mul3A_3 : i32
    "tpu.region"() ({
      %run_scoped3A_28 = tpu.sem_alloc : memref<!tpu.dma_semaphore, #tpu.memory_space<semaphore_mem>>
      %dma_start3A = arith.constant 0 : i32
      %dma_start3A_29 = tpu.memref_slice %arg9[%mul3A_4, %dma_start3A] : memref<10112x8xf32, #tpu.memory_space<vmem_shared>> -> memref<632x8xf32, #tpu.memory_space<vmem_shared>>
      %dma_start3A_30 = arith.constant 0 : i32
      %dma_start3A_31 = tpu.memref_slice %arg5[%mul3A_2, %dma_start3A_30] : memref<10112x8xf32, #tpu.memory_space<hbm>> -> memref<632x8xf32, #tpu.memory_space<hbm>>
      tpu.enqueue_dma source(%dma_start3A_31 : memref<632x8xf32, #tpu.memory_space<hbm>>) target(%dma_start3A_29 : memref<632x8xf32, #tpu.memory_space<vmem_shared>>) target_semaphore(%run_scoped3A_28 : memref<!tpu.dma_semaphore, #tpu.memory_space<semaphore_mem>>)
      %dma_wait3A = arith.constant 0 : i32
      %dma_wait3A_32 = tpu.memref_slice %arg9[%mul3A_4, %dma_wait3A] : memref<10112x8xf32, #tpu.memory_space<vmem_shared>> -> memref<632x8xf32, #tpu.memory_space<vmem_shared>>
      %dma_wait3A_33 = arith.constant 0 : i32
      %dma_wait3A_34 = tpu.memref_slice %arg5[%mul3A_2, %dma_wait3A_33] : memref<10112x8xf32, #tpu.memory_space<hbm>> -> memref<632x8xf32, #tpu.memory_space<hbm>>
      tpu.wait_dma2 semaphore(%run_scoped3A_28 : memref<!tpu.dma_semaphore, #tpu.memory_space<semaphore_mem>>) src(%dma_wait3A_34 : memref<632x8xf32, #tpu.memory_space<hbm>>) dst(%dma_wait3A_32 : memref<632x8xf32, #tpu.memory_space<vmem_shared>>)
      tpu.yield
    }) : () -> ()
    %barrier3A = arith.constant 0 : index
    tpu.barrier barrier_id(%barrier3A)
    %mul3A_5 = arith.constant 40 : i32
    %mul3A_6 = arith.muli %add3A, %mul3A_5 : i32
    %run_scoped3A = arith.constant 0 : i32
    "tpu.region"() ({
      %run_scoped3A_28 = tpu.sem_alloc : memref<!tpu.dma_semaphore, #tpu.memory_space<semaphore_mem>>
      %dma_start3A = arith.constant 0 : i32
      %dma_start3A_29 = tpu.memref_slice %arg4[%run_scoped3A, %mul3A_6, %dma_start3A] : memref<2x1280x128xi32, #tpu.memory_space<hbm>> -> memref<1x40x128xi32, #tpu.memory_space<hbm>>
      %dma_start3A_30 = tpu.memref_squeeze %dma_start3A_29 : memref<1x40x128xi32, #tpu.memory_space<hbm>> -> memref<40x128xi32, #tpu.memory_space<hbm>>
      %dma_start3A_31 = arith.constant 0 : i32
      %dma_start3A_32 = tpu.memref_slice %arg4[%run_scoped3A, %mul3A_6, %dma_start3A_31] : memref<2x1280x128xi32, #tpu.memory_space<hbm>> -> memref<1x40x128xi32, #tpu.memory_space<hbm>>
      %dma_start3A_33 = tpu.memref_squeeze %dma_start3A_32 : memref<1x40x128xi32, #tpu.memory_space<hbm>> -> memref<40x128xi32, #tpu.memory_space<hbm>>
      tpu.enqueue_dma source(%dma_start3A_33 : memref<40x128xi32, #tpu.memory_space<hbm>>) target(%arg7 : memref<40x128xi32, #tpu.memory_space<vmem>>) target_semaphore(%run_scoped3A_28 : memref<!tpu.dma_semaphore, #tpu.memory_space<semaphore_mem>>)
      %dma_wait3A = arith.constant 0 : i32
      %dma_wait3A_34 = tpu.memref_slice %arg4[%run_scoped3A, %mul3A_6, %dma_wait3A] : memref<2x1280x128xi32, #tpu.memory_space<hbm>> -> memref<1x40x128xi32, #tpu.memory_space<hbm>>
      %dma_wait3A_35 = tpu.memref_squeeze %dma_wait3A_34 : memref<1x40x128xi32, #tpu.memory_space<hbm>> -> memref<40x128xi32, #tpu.memory_space<hbm>>
      %dma_wait3A_36 = arith.constant 0 : i32
      %dma_wait3A_37 = tpu.memref_slice %arg4[%run_scoped3A, %mul3A_6, %dma_wait3A_36] : memref<2x1280x128xi32, #tpu.memory_space<hbm>> -> memref<1x40x128xi32, #tpu.memory_space<hbm>>
      %dma_wait3A_38 = tpu.memref_squeeze %dma_wait3A_37 : memref<1x40x128xi32, #tpu.memory_space<hbm>> -> memref<40x128xi32, #tpu.memory_space<hbm>>
      tpu.wait_dma2 semaphore(%run_scoped3A_28 : memref<!tpu.dma_semaphore, #tpu.memory_space<semaphore_mem>>) src(%dma_wait3A_38 : memref<40x128xi32, #tpu.memory_space<hbm>>) dst(%arg7 : memref<40x128xi32, #tpu.memory_space<vmem>>)
      tpu.yield
    }) : () -> ()
    %mul3A_7 = arith.constant 5120 : i32
    %mul3A_8 = arith.muli %add3A, %mul3A_7 : i32
    "tpu.region"() ({
      %run_scoped3A_28 = tpu.sem_alloc : memref<!tpu.dma_semaphore, #tpu.memory_space<semaphore_mem>>
      %dma_start3A = arith.constant 0 : i32
      %dma_start3A_29 = tpu.memref_slice %arg2[%mul3A_8, %dma_start3A] : memref<163840x8xf32, #tpu.memory_space<hbm>> -> memref<5120x8xf32, #tpu.memory_space<hbm>>
      %dma_start3A_30 = arith.constant 0 : i32
      %dma_start3A_31 = tpu.memref_slice %arg2[%mul3A_8, %dma_start3A_30] : memref<163840x8xf32, #tpu.memory_space<hbm>> -> memref<5120x8xf32, #tpu.memory_space<hbm>>
      tpu.enqueue_dma source(%dma_start3A_31 : memref<5120x8xf32, #tpu.memory_space<hbm>>) target(%arg8 : memref<5120x8xf32, #tpu.memory_space<vmem>>) target_semaphore(%run_scoped3A_28 : memref<!tpu.dma_semaphore, #tpu.memory_space<semaphore_mem>>)
      %dma_wait3A = arith.constant 0 : i32
      %dma_wait3A_32 = tpu.memref_slice %arg2[%mul3A_8, %dma_wait3A] : memref<163840x8xf32, #tpu.memory_space<hbm>> -> memref<5120x8xf32, #tpu.memory_space<hbm>>
      %dma_wait3A_33 = arith.constant 0 : i32
      %dma_wait3A_34 = tpu.memref_slice %arg2[%mul3A_8, %dma_wait3A_33] : memref<163840x8xf32, #tpu.memory_space<hbm>> -> memref<5120x8xf32, #tpu.memory_space<hbm>>
      tpu.wait_dma2 semaphore(%run_scoped3A_28 : memref<!tpu.dma_semaphore, #tpu.memory_space<semaphore_mem>>) src(%dma_wait3A_34 : memref<5120x8xf32, #tpu.memory_space<hbm>>) dst(%arg8 : memref<5120x8xf32, #tpu.memory_space<vmem>>)
      tpu.yield
    }) : () -> ()
    %scan3A = arith.constant 0 : i32
    %scan3A_9 = arith.constant 40 : i32
    %scan3A_10 = arith.addi %scan3A, %scan3A_9 : i32
    %scan3A_11 = arith.constant 1 : i32
    scf.for %scan3A_28 = %scan3A to %scan3A_10 step %scan3A_11  : i32 {
      %mul3A_29 = arith.constant 128 : i32
      %mul3A_30 = arith.muli %scan3A_28, %mul3A_29 : i32
      "tpu.region"() ({
        %run_scoped3A_31 = tpu.sem_alloc : memref<!tpu.dma_semaphore, #tpu.memory_space<semaphore_mem>>
        %dma_start3A = arith.constant 0 : i32
        %dma_start3A_32 = tpu.memref_slice %arg8[%mul3A_30, %dma_start3A] : memref<5120x8xf32, #tpu.memory_space<vmem>> -> memref<128x8xf32, #tpu.memory_space<vmem>>
        %dma_start3A_33 = arith.constant 0 : i32
        %dma_start3A_34 = tpu.memref_slice %arg7[%scan3A_28, %dma_start3A_33] : memref<40x128xi32, #tpu.memory_space<vmem>> -> memref<1x128xi32, #tpu.memory_space<vmem>>
        %dma_start3A_35 = tpu.memref_squeeze %dma_start3A_34 : memref<1x128xi32, #tpu.memory_space<vmem>> -> memref<128xi32, #tpu.memory_space<vmem>>
        %dma_start3A_36 = arith.constant 0 : i32
        %dma_start3A_37 = arith.constant 0 : i32
        %dma_start3A_38 = tpu.memref_slice %arg9[%dma_start3A_36, %dma_start3A_37] : memref<10112x8xf32, #tpu.memory_space<vmem_shared>> -> memref<10112x8xf32, #tpu.memory_space<vmem_shared>>
        tpu.enqueue_indirect_dma source(%dma_start3A_32 : memref<128x8xf32, #tpu.memory_space<vmem>>) target(%dma_start3A_38 : memref<10112x8xf32, #tpu.memory_space<vmem_shared>>) offsets(%dma_start3A_35 : memref<128xi32, #tpu.memory_space<vmem>>) semaphore(%run_scoped3A_31 : memref<!tpu.dma_semaphore, #tpu.memory_space<semaphore_mem>>) {add = true}
        %dma_wait3A = arith.constant 0 : i32
        %dma_wait3A_39 = tpu.memref_slice %arg8[%mul3A_30, %dma_wait3A] : memref<5120x8xf32, #tpu.memory_space<vmem>> -> memref<128x8xf32, #tpu.memory_space<vmem>>
        %dma_wait3A_40 = arith.constant 0 : i32
        %dma_wait3A_41 = tpu.memref_slice %arg7[%scan3A_28, %dma_wait3A_40] : memref<40x128xi32, #tpu.memory_space<vmem>> -> memref<1x128xi32, #tpu.memory_space<vmem>>
        %dma_wait3A_42 = tpu.memref_squeeze %dma_wait3A_41 : memref<1x128xi32, #tpu.memory_space<vmem>> -> memref<128xi32, #tpu.memory_space<vmem>>
        %dma_wait3A_43 = arith.constant 0 : i32
        %dma_wait3A_44 = arith.constant 0 : i32
        %dma_wait3A_45 = tpu.memref_slice %arg9[%dma_wait3A_43, %dma_wait3A_44] : memref<10112x8xf32, #tpu.memory_space<vmem_shared>> -> memref<10112x8xf32, #tpu.memory_space<vmem_shared>>
        tpu.wait_indirect_dma semaphore(%run_scoped3A_31 : memref<!tpu.dma_semaphore, #tpu.memory_space<semaphore_mem>>) src(%dma_wait3A_39 : memref<128x8xf32, #tpu.memory_space<vmem>>) dst(%dma_wait3A_45 : memref<10112x8xf32, #tpu.memory_space<vmem_shared>>)
        tpu.yield
      }) : () -> ()
    }
    %scan3A_12 = arith.constant 40 : i32
    %mul3A_13 = arith.constant 40 : i32
    %mul3A_14 = arith.muli %add3A, %mul3A_13 : i32
    %run_scoped3A_15 = arith.constant 1 : i32
    "tpu.region"() ({
      %run_scoped3A_28 = tpu.sem_alloc : memref<!tpu.dma_semaphore, #tpu.memory_space<semaphore_mem>>
      %dma_start3A = arith.constant 0 : i32
      %dma_start3A_29 = tpu.memref_slice %arg4[%run_scoped3A_15, %mul3A_14, %dma_start3A] : memref<2x1280x128xi32, #tpu.memory_space<hbm>> -> memref<1x40x128xi32, #tpu.memory_space<hbm>>
      %dma_start3A_30 = tpu.memref_squeeze %dma_start3A_29 : memref<1x40x128xi32, #tpu.memory_space<hbm>> -> memref<40x128xi32, #tpu.memory_space<hbm>>
      %dma_start3A_31 = arith.constant 0 : i32
      %dma_start3A_32 = tpu.memref_slice %arg4[%run_scoped3A_15, %mul3A_14, %dma_start3A_31] : memref<2x1280x128xi32, #tpu.memory_space<hbm>> -> memref<1x40x128xi32, #tpu.memory_space<hbm>>
      %dma_start3A_33 = tpu.memref_squeeze %dma_start3A_32 : memref<1x40x128xi32, #tpu.memory_space<hbm>> -> memref<40x128xi32, #tpu.memory_space<hbm>>
      tpu.enqueue_dma source(%dma_start3A_33 : memref<40x128xi32, #tpu.memory_space<hbm>>) target(%arg7 : memref<40x128xi32, #tpu.memory_space<vmem>>) target_semaphore(%run_scoped3A_28 : memref<!tpu.dma_semaphore, #tpu.memory_space<semaphore_mem>>)
      %dma_wait3A = arith.constant 0 : i32
      %dma_wait3A_34 = tpu.memref_slice %arg4[%run_scoped3A_15, %mul3A_14, %dma_wait3A] : memref<2x1280x128xi32, #tpu.memory_space<hbm>> -> memref<1x40x128xi32, #tpu.memory_space<hbm>>
      %dma_wait3A_35 = tpu.memref_squeeze %dma_wait3A_34 : memref<1x40x128xi32, #tpu.memory_space<hbm>> -> memref<40x128xi32, #tpu.memory_space<hbm>>
      %dma_wait3A_36 = arith.constant 0 : i32
      %dma_wait3A_37 = tpu.memref_slice %arg4[%run_scoped3A_15, %mul3A_14, %dma_wait3A_36] : memref<2x1280x128xi32, #tpu.memory_space<hbm>> -> memref<1x40x128xi32, #tpu.memory_space<hbm>>
      %dma_wait3A_38 = tpu.memref_squeeze %dma_wait3A_37 : memref<1x40x128xi32, #tpu.memory_space<hbm>> -> memref<40x128xi32, #tpu.memory_space<hbm>>
      tpu.wait_dma2 semaphore(%run_scoped3A_28 : memref<!tpu.dma_semaphore, #tpu.memory_space<semaphore_mem>>) src(%dma_wait3A_38 : memref<40x128xi32, #tpu.memory_space<hbm>>) dst(%arg7 : memref<40x128xi32, #tpu.memory_space<vmem>>)
      tpu.yield
    }) : () -> ()
    %mul3A_16 = arith.constant 5120 : i32
    %mul3A_17 = arith.muli %add3A, %mul3A_16 : i32
    "tpu.region"() ({
      %run_scoped3A_28 = tpu.sem_alloc : memref<!tpu.dma_semaphore, #tpu.memory_space<semaphore_mem>>
      %dma_start3A = arith.constant 0 : i32
      %dma_start3A_29 = tpu.memref_slice %arg3[%mul3A_17, %dma_start3A] : memref<163840x8xf32, #tpu.memory_space<hbm>> -> memref<5120x8xf32, #tpu.memory_space<hbm>>
      %dma_start3A_30 = arith.constant 0 : i32
      %dma_start3A_31 = tpu.memref_slice %arg3[%mul3A_17, %dma_start3A_30] : memref<163840x8xf32, #tpu.memory_space<hbm>> -> memref<5120x8xf32, #tpu.memory_space<hbm>>
      tpu.enqueue_dma source(%dma_start3A_31 : memref<5120x8xf32, #tpu.memory_space<hbm>>) target(%arg8 : memref<5120x8xf32, #tpu.memory_space<vmem>>) target_semaphore(%run_scoped3A_28 : memref<!tpu.dma_semaphore, #tpu.memory_space<semaphore_mem>>)
      %dma_wait3A = arith.constant 0 : i32
      %dma_wait3A_32 = tpu.memref_slice %arg3[%mul3A_17, %dma_wait3A] : memref<163840x8xf32, #tpu.memory_space<hbm>> -> memref<5120x8xf32, #tpu.memory_space<hbm>>
      %dma_wait3A_33 = arith.constant 0 : i32
      %dma_wait3A_34 = tpu.memref_slice %arg3[%mul3A_17, %dma_wait3A_33] : memref<163840x8xf32, #tpu.memory_space<hbm>> -> memref<5120x8xf32, #tpu.memory_space<hbm>>
      tpu.wait_dma2 semaphore(%run_scoped3A_28 : memref<!tpu.dma_semaphore, #tpu.memory_space<semaphore_mem>>) src(%dma_wait3A_34 : memref<5120x8xf32, #tpu.memory_space<hbm>>) dst(%arg8 : memref<5120x8xf32, #tpu.memory_space<vmem>>)
      tpu.yield
    }) : () -> ()
    %scan3A_18 = arith.constant 0 : i32
    %scan3A_19 = arith.constant 40 : i32
    %scan3A_20 = arith.addi %scan3A_18, %scan3A_19 : i32
    %scan3A_21 = arith.constant 1 : i32
    scf.for %scan3A_28 = %scan3A_18 to %scan3A_20 step %scan3A_21  : i32 {
      %mul3A_29 = arith.constant 128 : i32
      %mul3A_30 = arith.muli %scan3A_28, %mul3A_29 : i32
      "tpu.region"() ({
        %run_scoped3A_31 = tpu.sem_alloc : memref<!tpu.dma_semaphore, #tpu.memory_space<semaphore_mem>>
        %dma_start3A = arith.constant 0 : i32
        %dma_start3A_32 = tpu.memref_slice %arg8[%mul3A_30, %dma_start3A] : memref<5120x8xf32, #tpu.memory_space<vmem>> -> memref<128x8xf32, #tpu.memory_space<vmem>>
        %dma_start3A_33 = arith.constant 0 : i32
        %dma_start3A_34 = tpu.memref_slice %arg7[%scan3A_28, %dma_start3A_33] : memref<40x128xi32, #tpu.memory_space<vmem>> -> memref<1x128xi32, #tpu.memory_space<vmem>>
        %dma_start3A_35 = tpu.memref_squeeze %dma_start3A_34 : memref<1x128xi32, #tpu.memory_space<vmem>> -> memref<128xi32, #tpu.memory_space<vmem>>
        %dma_start3A_36 = arith.constant 0 : i32
        %dma_start3A_37 = arith.constant 0 : i32
        %dma_start3A_38 = tpu.memref_slice %arg9[%dma_start3A_36, %dma_start3A_37] : memref<10112x8xf32, #tpu.memory_space<vmem_shared>> -> memref<10112x8xf32, #tpu.memory_space<vmem_shared>>
        tpu.enqueue_indirect_dma source(%dma_start3A_32 : memref<128x8xf32, #tpu.memory_space<vmem>>) target(%dma_start3A_38 : memref<10112x8xf32, #tpu.memory_space<vmem_shared>>) offsets(%dma_start3A_35 : memref<128xi32, #tpu.memory_space<vmem>>) semaphore(%run_scoped3A_31 : memref<!tpu.dma_semaphore, #tpu.memory_space<semaphore_mem>>) {add = true}
        %dma_wait3A = arith.constant 0 : i32
        %dma_wait3A_39 = tpu.memref_slice %arg8[%mul3A_30, %dma_wait3A] : memref<5120x8xf32, #tpu.memory_space<vmem>> -> memref<128x8xf32, #tpu.memory_space<vmem>>
        %dma_wait3A_40 = arith.constant 0 : i32
        %dma_wait3A_41 = tpu.memref_slice %arg7[%scan3A_28, %dma_wait3A_40] : memref<40x128xi32, #tpu.memory_space<vmem>> -> memref<1x128xi32, #tpu.memory_space<vmem>>
        %dma_wait3A_42 = tpu.memref_squeeze %dma_wait3A_41 : memref<1x128xi32, #tpu.memory_space<vmem>> -> memref<128xi32, #tpu.memory_space<vmem>>
        %dma_wait3A_43 = arith.constant 0 : i32
        %dma_wait3A_44 = arith.constant 0 : i32
        %dma_wait3A_45 = tpu.memref_slice %arg9[%dma_wait3A_43, %dma_wait3A_44] : memref<10112x8xf32, #tpu.memory_space<vmem_shared>> -> memref<10112x8xf32, #tpu.memory_space<vmem_shared>>
        tpu.wait_indirect_dma semaphore(%run_scoped3A_31 : memref<!tpu.dma_semaphore, #tpu.memory_space<semaphore_mem>>) src(%dma_wait3A_39 : memref<128x8xf32, #tpu.memory_space<vmem>>) dst(%dma_wait3A_45 : memref<10112x8xf32, #tpu.memory_space<vmem_shared>>)
        tpu.yield
      }) : () -> ()
    }
    %scan3A_22 = arith.constant 40 : i32
    %barrier3A_23 = arith.constant 0 : index
    tpu.barrier barrier_id(%barrier3A_23)
    %mul3A_24 = arith.constant 632 : i32
    %mul3A_25 = arith.muli %arg1, %mul3A_24 : i32
    %mul3A_26 = arith.constant 632 : i32
    %mul3A_27 = arith.muli %arg1, %mul3A_26 : i32
    "tpu.region"() ({
      %run_scoped3A_28 = tpu.sem_alloc : memref<!tpu.dma_semaphore, #tpu.memory_space<semaphore_mem>>
      %dma_start3A = arith.constant 0 : i32
      %dma_start3A_29 = tpu.memref_slice %arg6[%arg0, %mul3A_27, %dma_start3A] : memref<2x10112x8xf32, #tpu.memory_space<hbm>> -> memref<1x632x8xf32, #tpu.memory_space<hbm>>
      %dma_start3A_30 = tpu.memref_squeeze %dma_start3A_29 : memref<1x632x8xf32, #tpu.memory_space<hbm>> -> memref<632x8xf32, #tpu.memory_space<hbm>>
      %dma_start3A_31 = arith.constant 0 : i32
      %dma_start3A_32 = tpu.memref_slice %arg9[%mul3A_25, %dma_start3A_31] : memref<10112x8xf32, #tpu.memory_space<vmem_shared>> -> memref<632x8xf32, #tpu.memory_space<vmem_shared>>
      tpu.enqueue_dma source(%dma_start3A_32 : memref<632x8xf32, #tpu.memory_space<vmem_shared>>) target(%dma_start3A_30 : memref<632x8xf32, #tpu.memory_space<hbm>>) target_semaphore(%run_scoped3A_28 : memref<!tpu.dma_semaphore, #tpu.memory_space<semaphore_mem>>)
      %dma_wait3A = arith.constant 0 : i32
      %dma_wait3A_33 = tpu.memref_slice %arg6[%arg0, %mul3A_27, %dma_wait3A] : memref<2x10112x8xf32, #tpu.memory_space<hbm>> -> memref<1x632x8xf32, #tpu.memory_space<hbm>>
      %dma_wait3A_34 = tpu.memref_squeeze %dma_wait3A_33 : memref<1x632x8xf32, #tpu.memory_space<hbm>> -> memref<632x8xf32, #tpu.memory_space<hbm>>
      %dma_wait3A_35 = arith.constant 0 : i32
      %dma_wait3A_36 = tpu.memref_slice %arg9[%mul3A_25, %dma_wait3A_35] : memref<10112x8xf32, #tpu.memory_space<vmem_shared>> -> memref<632x8xf32, #tpu.memory_space<vmem_shared>>
      tpu.wait_dma2 semaphore(%run_scoped3A_28 : memref<!tpu.dma_semaphore, #tpu.memory_space<semaphore_mem>>) src(%dma_wait3A_36 : memref<632x8xf32, #tpu.memory_space<vmem_shared>>) dst(%dma_wait3A_34 : memref<632x8xf32, #tpu.memory_space<hbm>>)
      tpu.yield
    }) : () -> ()
    return
  }
}

module attributes {stable_mosaic.version = 14 : i64} {
  func.func @_edge_body(%arg0: i32, %arg1: memref<3x6400xf32, #tpu.memory_space<vmem>>, %arg2: memref<1x6400xf32, #tpu.memory_space<vmem>>, %arg3: memref<9x6400xf32, #tpu.memory_space<vmem>>, %arg4: memref<14x6400xf32, #tpu.memory_space<vmem>>, %arg5: memref<6400x8xf32, #tpu.memory_space<vmem>>, %arg6: memref<6400x8xf32, #tpu.memory_space<vmem>>, %arg7: memref<1x8xf32, #tpu.memory_space<vmem>>, %arg8: memref<6400x8xf32, #tpu.memory_space<vmem>>, %arg9: memref<6400x8xf32, #tpu.memory_space<vmem>>) attributes {dimension_semantics = [#tpu.dimension_semantics<arbitrary>], iteration_bounds = array<i64: 25>, scalar_prefetch = 0 : i64, scratch_operands = 0 : i64, tpu.core_type = #tpu.core_type<tc>, window_params = [{transform_indices = @transform_0, window_bounds = array<i64: 3, 6400>}, {transform_indices = @transform_1, window_bounds = array<i64: 1, 6400>}, {transform_indices = @transform_2, window_bounds = array<i64: 9, 6400>}, {transform_indices = @transform_3, window_bounds = array<i64: 14, 6400>}, {transform_indices = @transform_4, window_bounds = array<i64: 6400, 8>}, {transform_indices = @transform_5, window_bounds = array<i64: 6400, 8>}, {pipeline_mode = #tpu.pipeline_mode<synchronous>, transform_indices = @transform_6, window_bounds = array<i64: 1, 8>}, {transform_indices = @transform_7, window_bounds = array<i64: 6400, 8>}, {transform_indices = @transform_8, window_bounds = array<i64: 6400, 8>}]} {
    %get3A = arith.constant 0 : index
    %get3A_0 = arith.constant 0 : index
    %get3A_1 = vector.load %arg5[%get3A, %get3A_0] : memref<6400x8xf32, #tpu.memory_space<vmem>>, vector<6400x8xf32>
    %transpose3A = tpu.transpose %get3A_1, [1, 0] : vector<6400x8xf32> -> vector<8x6400xf32>
    %get3A_2 = arith.constant 0 : index
    %get3A_3 = arith.constant 0 : index
    %get3A_4 = vector.load %arg6[%get3A_2, %get3A_3] : memref<6400x8xf32, #tpu.memory_space<vmem>>, vector<6400x8xf32>
    %transpose3A_5 = tpu.transpose %get3A_4, [1, 0] : vector<6400x8xf32> -> vector<8x6400xf32>
    %get3A_6 = arith.constant 0 : index
    %get3A_7 = arith.constant 0 : index
    %get3A_8 = vector.load %arg1[%get3A_6, %get3A_7] : memref<3x6400xf32, #tpu.memory_space<vmem>>, vector<3x6400xf32>
    %mul3A = arith.mulf %get3A_8, %get3A_8 : vector<3x6400xf32>
    %reduce_sum3A = arith.constant dense<0.000000e+00> : vector<6400xf32>
    %reduce_sum3A_9 = vector.multi_reduction <add>, %mul3A, %reduce_sum3A [0] : vector<3x6400xf32> to vector<6400xf32>
    %broadcast_in_dim3A = vector.shape_cast %reduce_sum3A_9 : vector<6400xf32> to vector<1x6400xf32>
    %sqrt3A = math.sqrt %broadcast_in_dim3A : vector<1x6400xf32>
    %add3A = arith.constant 9.99999993E-9 : f32
    %add3A_10 = vector.broadcast %add3A : f32 to vector<1x6400xf32>
    %add3A_11 = arith.addf %sqrt3A, %add3A_10 : vector<1x6400xf32>
    %div3A = vector.broadcast %add3A_11 : vector<1x6400xf32> to vector<3x6400xf32>
    %div3A_12 = arith.divf %get3A_8, %div3A : vector<3x6400xf32>
    %slice3A = vector.extract_strided_slice %transpose3A {offsets = [0, 0], sizes = [3, 6400], strides = [1, 1]} : vector<8x6400xf32> to vector<3x6400xf32>
    %slice3A_13 = vector.extract_strided_slice %transpose3A_5 {offsets = [0, 0], sizes = [3, 6400], strides = [1, 1]} : vector<8x6400xf32> to vector<3x6400xf32>
    %slice3A_14 = vector.extract_strided_slice %transpose3A {offsets = [4, 0], sizes = [1, 6400], strides = [1, 1]} : vector<8x6400xf32> to vector<1x6400xf32>
    %slice3A_15 = vector.extract_strided_slice %transpose3A_5 {offsets = [4, 0], sizes = [1, 6400], strides = [1, 1]} : vector<8x6400xf32> to vector<1x6400xf32>
    %slice3A_16 = vector.extract_strided_slice %transpose3A {offsets = [5, 0], sizes = [1, 6400], strides = [1, 1]} : vector<8x6400xf32> to vector<1x6400xf32>
    %slice3A_17 = vector.extract_strided_slice %transpose3A_5 {offsets = [5, 0], sizes = [1, 6400], strides = [1, 1]} : vector<8x6400xf32> to vector<1x6400xf32>
    %slice3A_18 = vector.extract_strided_slice %transpose3A {offsets = [6, 0], sizes = [1, 6400], strides = [1, 1]} : vector<8x6400xf32> to vector<1x6400xf32>
    %slice3A_19 = vector.extract_strided_slice %transpose3A_5 {offsets = [6, 0], sizes = [1, 6400], strides = [1, 1]} : vector<8x6400xf32> to vector<1x6400xf32>
    %slice3A_20 = vector.extract_strided_slice %transpose3A {offsets = [7, 0], sizes = [1, 6400], strides = [1, 1]} : vector<8x6400xf32> to vector<1x6400xf32>
    %slice3A_21 = vector.extract_strided_slice %transpose3A_5 {offsets = [7, 0], sizes = [1, 6400], strides = [1, 1]} : vector<8x6400xf32> to vector<1x6400xf32>
    %sub3A = arith.subf %slice3A, %slice3A_13 : vector<3x6400xf32>
    %mul3A_22 = arith.mulf %div3A_12, %sub3A : vector<3x6400xf32>
    %reduce_sum3A_23 = arith.constant dense<0.000000e+00> : vector<6400xf32>
    %reduce_sum3A_24 = vector.multi_reduction <add>, %mul3A_22, %reduce_sum3A_23 [0] : vector<3x6400xf32> to vector<6400xf32>
    %broadcast_in_dim3A_25 = vector.shape_cast %reduce_sum3A_24 : vector<6400xf32> to vector<1x6400xf32>
    %mul3A_26 = arith.mulf %sub3A, %sub3A : vector<3x6400xf32>
    %reduce_sum3A_27 = arith.constant dense<0.000000e+00> : vector<6400xf32>
    %reduce_sum3A_28 = vector.multi_reduction <add>, %mul3A_26, %reduce_sum3A_27 [0] : vector<3x6400xf32> to vector<6400xf32>
    %broadcast_in_dim3A_29 = vector.shape_cast %reduce_sum3A_28 : vector<6400xf32> to vector<1x6400xf32>
    %get3A_30 = arith.constant 0 : index
    %get3A_31 = arith.constant 4 : index
    %get3A_32 = vector.load %arg7[%get3A_30, %get3A_31] : memref<1x8xf32, #tpu.memory_space<vmem>>, vector<1x1xf32>
    %get3A_33 = arith.constant 0 : index
    %get3A_34 = arith.constant 5 : index
    %get3A_35 = vector.load %arg7[%get3A_33, %get3A_34] : memref<1x8xf32, #tpu.memory_space<vmem>>, vector<1x1xf32>
    %get3A_36 = arith.constant 0 : index
    %get3A_37 = arith.constant 6 : index
    %get3A_38 = vector.load %arg7[%get3A_36, %get3A_37] : memref<1x8xf32, #tpu.memory_space<vmem>>, vector<1x1xf32>
    %get3A_39 = arith.constant 0 : index
    %get3A_40 = arith.constant 0 : index
    %get3A_41 = vector.load %arg4[%get3A_39, %get3A_40] : memref<14x6400xf32, #tpu.memory_space<vmem>>, vector<14x6400xf32>
    %slice3A_42 = vector.extract_strided_slice %get3A_41 {offsets = [0, 0], sizes = [1, 6400], strides = [1, 1]} : vector<14x6400xf32> to vector<1x6400xf32>
    %slice3A_43 = vector.extract_strided_slice %get3A_41 {offsets = [1, 0], sizes = [1, 6400], strides = [1, 1]} : vector<14x6400xf32> to vector<1x6400xf32>
    %slice3A_44 = vector.extract_strided_slice %get3A_41 {offsets = [2, 0], sizes = [1, 6400], strides = [1, 1]} : vector<14x6400xf32> to vector<1x6400xf32>
    %slice3A_45 = vector.extract_strided_slice %get3A_41 {offsets = [3, 0], sizes = [1, 6400], strides = [1, 1]} : vector<14x6400xf32> to vector<1x6400xf32>
    %slice3A_46 = vector.extract_strided_slice %get3A_41 {offsets = [4, 0], sizes = [1, 6400], strides = [1, 1]} : vector<14x6400xf32> to vector<1x6400xf32>
    %slice3A_47 = vector.extract_strided_slice %get3A_41 {offsets = [5, 0], sizes = [1, 6400], strides = [1, 1]} : vector<14x6400xf32> to vector<1x6400xf32>
    %slice3A_48 = vector.extract_strided_slice %get3A_41 {offsets = [6, 0], sizes = [1, 6400], strides = [1, 1]} : vector<14x6400xf32> to vector<1x6400xf32>
    %slice3A_49 = vector.extract_strided_slice %get3A_41 {offsets = [7, 0], sizes = [1, 6400], strides = [1, 1]} : vector<14x6400xf32> to vector<1x6400xf32>
    %slice3A_50 = vector.extract_strided_slice %get3A_41 {offsets = [8, 0], sizes = [1, 6400], strides = [1, 1]} : vector<14x6400xf32> to vector<1x6400xf32>
    %slice3A_51 = vector.extract_strided_slice %get3A_41 {offsets = [9, 0], sizes = [1, 6400], strides = [1, 1]} : vector<14x6400xf32> to vector<1x6400xf32>
    %slice3A_52 = vector.extract_strided_slice %get3A_41 {offsets = [10, 0], sizes = [1, 6400], strides = [1, 1]} : vector<14x6400xf32> to vector<1x6400xf32>
    %slice3A_53 = vector.extract_strided_slice %get3A_41 {offsets = [11, 0], sizes = [1, 6400], strides = [1, 1]} : vector<14x6400xf32> to vector<1x6400xf32>
    %slice3A_54 = vector.extract_strided_slice %get3A_41 {offsets = [12, 0], sizes = [1, 6400], strides = [1, 1]} : vector<14x6400xf32> to vector<1x6400xf32>
    %slice3A_55 = vector.extract_strided_slice %get3A_41 {offsets = [13, 0], sizes = [1, 6400], strides = [1, 1]} : vector<14x6400xf32> to vector<1x6400xf32>
    %sub3A_56 = arith.subf %slice3A_54, %slice3A_55 : vector<1x6400xf32>
    %div3A_57 = arith.constant 2.000000e-03 : f32
    %div3A_58 = vector.broadcast %div3A_57 : f32 to vector<1x6400xf32>
    %div3A_59 = arith.divf %sub3A_56, %div3A_58 : vector<1x6400xf32>
    %mul3A_60 = vector.broadcast %div3A_59 : vector<1x6400xf32> to vector<3x6400xf32>
    %mul3A_61 = arith.mulf %mul3A_60, %div3A_12 : vector<3x6400xf32>
    %mul3A_62 = arith.mulf %slice3A_42, %slice3A_43 : vector<1x6400xf32>
    %mul3A_63 = arith.mulf %slice3A_46, %slice3A_47 : vector<1x6400xf32>
    %mul3A_64 = arith.mulf %slice3A_50, %slice3A_51 : vector<1x6400xf32>
    %mul3A_65 = arith.constant 2.000000e+00 : f32
    %mul3A_66 = vector.broadcast %mul3A_65 : f32 to vector<1x6400xf32>
    %mul3A_67 = arith.mulf %mul3A_66, %mul3A_62 : vector<1x6400xf32>
    %mul3A_68 = arith.mulf %slice3A_44, %slice3A_43 : vector<1x6400xf32>
    %sub3A_69 = arith.subf %mul3A_68, %mul3A_62 : vector<1x6400xf32>
    %mul3A_70 = arith.mulf %mul3A_67, %sub3A_69 : vector<1x6400xf32>
    %div3A_71 = arith.constant 1.000000e-03 : f32
    %div3A_72 = vector.broadcast %div3A_71 : f32 to vector<1x6400xf32>
    %div3A_73 = arith.divf %mul3A_70, %div3A_72 : vector<1x6400xf32>
    %mul3A_74 = arith.constant 2.000000e+00 : f32
    %mul3A_75 = vector.broadcast %mul3A_74 : f32 to vector<1x6400xf32>
    %mul3A_76 = arith.mulf %mul3A_75, %mul3A_63 : vector<1x6400xf32>
    %mul3A_77 = arith.mulf %slice3A_48, %slice3A_47 : vector<1x6400xf32>
    %sub3A_78 = arith.subf %mul3A_77, %mul3A_63 : vector<1x6400xf32>
    %mul3A_79 = arith.mulf %mul3A_76, %sub3A_78 : vector<1x6400xf32>
    %div3A_80 = arith.constant 1.000000e-03 : f32
    %div3A_81 = vector.broadcast %div3A_80 : f32 to vector<1x6400xf32>
    %div3A_82 = arith.divf %mul3A_79, %div3A_81 : vector<1x6400xf32>
    %mul3A_83 = arith.constant 2.000000e+00 : f32
    %mul3A_84 = vector.broadcast %mul3A_83 : f32 to vector<1x6400xf32>
    %mul3A_85 = arith.mulf %mul3A_84, %mul3A_64 : vector<1x6400xf32>
    %mul3A_86 = arith.mulf %slice3A_52, %slice3A_51 : vector<1x6400xf32>
    %sub3A_87 = arith.subf %mul3A_86, %mul3A_64 : vector<1x6400xf32>
    %mul3A_88 = arith.mulf %mul3A_85, %sub3A_87 : vector<1x6400xf32>
    %div3A_89 = arith.constant 1.000000e-03 : f32
    %div3A_90 = vector.broadcast %div3A_89 : f32 to vector<1x6400xf32>
    %div3A_91 = arith.divf %mul3A_88, %div3A_90 : vector<1x6400xf32>
    %mul3A_92 = arith.constant 2.000000e+00 : f32
    %mul3A_93 = vector.broadcast %mul3A_92 : f32 to vector<1x6400xf32>
    %mul3A_94 = arith.mulf %mul3A_93, %mul3A_62 : vector<1x6400xf32>
    %mul3A_95 = arith.mulf %slice3A_42, %slice3A_45 : vector<1x6400xf32>
    %sub3A_96 = arith.subf %mul3A_95, %mul3A_62 : vector<1x6400xf32>
    %mul3A_97 = arith.mulf %mul3A_94, %sub3A_96 : vector<1x6400xf32>
    %div3A_98 = arith.constant 1.000000e-03 : f32
    %div3A_99 = vector.broadcast %div3A_98 : f32 to vector<1x6400xf32>
    %div3A_100 = arith.divf %mul3A_97, %div3A_99 : vector<1x6400xf32>
    %mul3A_101 = arith.constant 2.000000e+00 : f32
    %mul3A_102 = vector.broadcast %mul3A_101 : f32 to vector<1x6400xf32>
    %mul3A_103 = arith.mulf %mul3A_102, %mul3A_63 : vector<1x6400xf32>
    %mul3A_104 = arith.mulf %slice3A_46, %slice3A_49 : vector<1x6400xf32>
    %sub3A_105 = arith.subf %mul3A_104, %mul3A_63 : vector<1x6400xf32>
    %mul3A_106 = arith.mulf %mul3A_103, %sub3A_105 : vector<1x6400xf32>
    %div3A_107 = arith.constant 1.000000e-03 : f32
    %div3A_108 = vector.broadcast %div3A_107 : f32 to vector<1x6400xf32>
    %div3A_109 = arith.divf %mul3A_106, %div3A_108 : vector<1x6400xf32>
    %mul3A_110 = arith.constant 2.000000e+00 : f32
    %mul3A_111 = vector.broadcast %mul3A_110 : f32 to vector<1x6400xf32>
    %mul3A_112 = arith.mulf %mul3A_111, %mul3A_64 : vector<1x6400xf32>
    %mul3A_113 = arith.mulf %slice3A_50, %slice3A_53 : vector<1x6400xf32>
    %sub3A_114 = arith.subf %mul3A_113, %mul3A_64 : vector<1x6400xf32>
    %mul3A_115 = arith.mulf %mul3A_112, %sub3A_114 : vector<1x6400xf32>
    %div3A_116 = arith.constant 1.000000e-03 : f32
    %div3A_117 = vector.broadcast %div3A_116 : f32 to vector<1x6400xf32>
    %div3A_118 = arith.divf %mul3A_115, %div3A_117 : vector<1x6400xf32>
    %mul3A_119 = arith.mulf %mul3A_62, %mul3A_62 : vector<1x6400xf32>
    %mul3A_120 = arith.mulf %mul3A_63, %mul3A_63 : vector<1x6400xf32>
    %mul3A_121 = arith.mulf %mul3A_64, %mul3A_64 : vector<1x6400xf32>
    %add3A_122 = arith.addf %slice3A_16, %slice3A_17 : vector<1x6400xf32>
    %mul3A_123 = vector.broadcast %add3A_122 : vector<1x6400xf32> to vector<3x6400xf32>
    %mul3A_124 = arith.mulf %mul3A_123, %mul3A_61 : vector<3x6400xf32>
    %div3A_125 = arith.constant 2.000000e+00 : f32
    %div3A_126 = vector.broadcast %div3A_125 : f32 to vector<1x6400xf32>
    %div3A_127 = arith.divf %mul3A_119, %div3A_126 : vector<1x6400xf32>
    %mul3A_128 = vector.broadcast %div3A_127 : vector<1x6400xf32> to vector<3x6400xf32>
    %mul3A_129 = arith.mulf %mul3A_128, %sub3A : vector<3x6400xf32>
    %div3A_130 = arith.constant 2.000000e+00 : f32
    %div3A_131 = vector.broadcast %div3A_130 : f32 to vector<1x6400xf32>
    %div3A_132 = arith.divf %mul3A_119, %div3A_131 : vector<1x6400xf32>
    %sub3A_133 = arith.subf %mul3A_120, %mul3A_119 : vector<1x6400xf32>
    %div3A_134 = arith.constant 3.000000e+00 : f32
    %div3A_135 = vector.broadcast %div3A_134 : f32 to vector<1x6400xf32>
    %div3A_136 = arith.divf %sub3A_133, %div3A_135 : vector<1x6400xf32>
    %add3A_137 = arith.addf %div3A_132, %div3A_136 : vector<1x6400xf32>
    %mul3A_138 = arith.mulf %add3A_137, %broadcast_in_dim3A_25 : vector<1x6400xf32>
    %mul3A_139 = vector.broadcast %mul3A_138 : vector<1x6400xf32> to vector<3x6400xf32>
    %mul3A_140 = arith.mulf %mul3A_139, %div3A_12 : vector<3x6400xf32>
    %add3A_141 = arith.addf %mul3A_129, %mul3A_140 : vector<3x6400xf32>
    %add3A_142 = arith.addf %slice3A_14, %slice3A_15 : vector<1x6400xf32>
    %mul3A_143 = vector.broadcast %add3A_142 : vector<1x6400xf32> to vector<3x6400xf32>
    %mul3A_144 = arith.mulf %mul3A_143, %add3A_141 : vector<3x6400xf32>
    %add3A_145 = arith.addf %slice3A_20, %slice3A_21 : vector<1x6400xf32>
    %neg3A = arith.constant 0.000000e+00 : f32
    %neg3A_146 = vector.broadcast %neg3A : f32 to vector<1x6400xf32>
    %neg3A_147 = arith.subf %neg3A_146, %add3A_145 : vector<1x6400xf32>
    %mul3A_148 = vector.broadcast %neg3A_147 : vector<1x6400xf32> to vector<3x6400xf32>
    %mul3A_149 = arith.mulf %mul3A_148, %add3A_141 : vector<3x6400xf32>
    %div3A_150 = arith.constant 2.000000e+00 : f32
    %div3A_151 = vector.broadcast %div3A_150 : f32 to vector<1x6400xf32>
    %div3A_152 = arith.divf %div3A_73, %div3A_151 : vector<1x6400xf32>
    %mul3A_153 = vector.broadcast %div3A_152 : vector<1x6400xf32> to vector<3x6400xf32>
    %mul3A_154 = arith.mulf %mul3A_153, %sub3A : vector<3x6400xf32>
    %div3A_155 = arith.constant 2.000000e+00 : f32
    %div3A_156 = vector.broadcast %div3A_155 : f32 to vector<1x6400xf32>
    %div3A_157 = arith.divf %div3A_73, %div3A_156 : vector<1x6400xf32>
    %sub3A_158 = arith.subf %div3A_82, %div3A_73 : vector<1x6400xf32>
    %div3A_159 = arith.constant 3.000000e+00 : f32
    %div3A_160 = vector.broadcast %div3A_159 : f32 to vector<1x6400xf32>
    %div3A_161 = arith.divf %sub3A_158, %div3A_160 : vector<1x6400xf32>
    %add3A_162 = arith.addf %div3A_157, %div3A_161 : vector<1x6400xf32>
    %mul3A_163 = arith.mulf %add3A_162, %broadcast_in_dim3A_25 : vector<1x6400xf32>
    %mul3A_164 = vector.broadcast %mul3A_163 : vector<1x6400xf32> to vector<3x6400xf32>
    %mul3A_165 = arith.mulf %mul3A_164, %div3A_12 : vector<3x6400xf32>
    %add3A_166 = arith.addf %mul3A_154, %mul3A_165 : vector<3x6400xf32>
    %mul3A_167 = vector.broadcast %slice3A_18 : vector<1x6400xf32> to vector<3x6400xf32>
    %mul3A_168 = arith.mulf %add3A_166, %mul3A_167 : vector<3x6400xf32>
    %div3A_169 = arith.constant 2.000000e+00 : f32
    %div3A_170 = vector.broadcast %div3A_169 : f32 to vector<1x6400xf32>
    %div3A_171 = arith.divf %div3A_100, %div3A_170 : vector<1x6400xf32>
    %mul3A_172 = vector.broadcast %div3A_171 : vector<1x6400xf32> to vector<3x6400xf32>
    %mul3A_173 = arith.mulf %mul3A_172, %sub3A : vector<3x6400xf32>
    %div3A_174 = arith.constant 2.000000e+00 : f32
    %div3A_175 = vector.broadcast %div3A_174 : f32 to vector<1x6400xf32>
    %div3A_176 = arith.divf %div3A_100, %div3A_175 : vector<1x6400xf32>
    %sub3A_177 = arith.subf %div3A_109, %div3A_100 : vector<1x6400xf32>
    %div3A_178 = arith.constant 3.000000e+00 : f32
    %div3A_179 = vector.broadcast %div3A_178 : f32 to vector<1x6400xf32>
    %div3A_180 = arith.divf %sub3A_177, %div3A_179 : vector<1x6400xf32>
    %add3A_181 = arith.addf %div3A_176, %div3A_180 : vector<1x6400xf32>
    %mul3A_182 = arith.mulf %add3A_181, %broadcast_in_dim3A_25 : vector<1x6400xf32>
    %mul3A_183 = vector.broadcast %mul3A_182 : vector<1x6400xf32> to vector<3x6400xf32>
    %mul3A_184 = arith.mulf %mul3A_183, %div3A_12 : vector<3x6400xf32>
    %add3A_185 = arith.addf %mul3A_173, %mul3A_184 : vector<3x6400xf32>
    %mul3A_186 = vector.broadcast %slice3A_19 : vector<1x6400xf32> to vector<3x6400xf32>
    %mul3A_187 = arith.mulf %add3A_185, %mul3A_186 : vector<3x6400xf32>
    %add3A_188 = arith.addf %mul3A_168, %mul3A_187 : vector<3x6400xf32>
    %mul3A_189 = arith.constant 5.000000e-01 : f32
    %mul3A_190 = vector.broadcast %mul3A_189 : f32 to vector<3x6400xf32>
    %mul3A_191 = arith.mulf %mul3A_190, %mul3A_144 : vector<3x6400xf32>
    %add3A_192 = arith.addf %mul3A_124, %mul3A_191 : vector<3x6400xf32>
    %mul3A_193 = arith.constant 5.000000e-01 : f32
    %mul3A_194 = vector.broadcast %mul3A_193 : f32 to vector<1x1xf32>
    %mul3A_195 = arith.mulf %mul3A_194, %get3A_32 : vector<1x1xf32>
    %add3A_196 = arith.addf %mul3A_149, %add3A_188 : vector<3x6400xf32>
    %mul3A_197 = vector.broadcast %mul3A_195 : vector<1x1xf32> to vector<3x6400xf32>
    %mul3A_198 = arith.mulf %mul3A_197, %add3A_196 : vector<3x6400xf32>
    %add3A_199 = arith.addf %add3A_192, %mul3A_198 : vector<3x6400xf32>
    %neg3A_200 = arith.constant 0.000000e+00 : f32
    %neg3A_201 = vector.broadcast %neg3A_200 : f32 to vector<1x1xf32>
    %neg3A_202 = arith.subf %neg3A_201, %get3A_35 : vector<1x1xf32>
    %mul3A_203 = vector.broadcast %neg3A_202 : vector<1x1xf32> to vector<3x6400xf32>
    %mul3A_204 = arith.mulf %mul3A_203, %add3A_199 : vector<3x6400xf32>
    %mul3A_205 = vector.broadcast %get3A_35 : vector<1x1xf32> to vector<3x6400xf32>
    %mul3A_206 = arith.mulf %mul3A_205, %add3A_199 : vector<3x6400xf32>
    %div3A_207 = arith.constant 2.000000e+00 : f32
    %div3A_208 = vector.broadcast %div3A_207 : f32 to vector<1x6400xf32>
    %div3A_209 = arith.divf %mul3A_119, %div3A_208 : vector<1x6400xf32>
    %mul3A_210 = arith.mulf %div3A_209, %broadcast_in_dim3A_29 : vector<1x6400xf32>
    %div3A_211 = arith.constant 2.000000e+00 : f32
    %div3A_212 = vector.broadcast %div3A_211 : f32 to vector<1x6400xf32>
    %div3A_213 = arith.divf %mul3A_119, %div3A_212 : vector<1x6400xf32>
    %sub3A_214 = arith.subf %mul3A_120, %mul3A_119 : vector<1x6400xf32>
    %div3A_215 = arith.constant 3.000000e+00 : f32
    %div3A_216 = vector.broadcast %div3A_215 : f32 to vector<1x6400xf32>
    %div3A_217 = arith.divf %sub3A_214, %div3A_216 : vector<1x6400xf32>
    %add3A_218 = arith.addf %div3A_213, %div3A_217 : vector<1x6400xf32>
    %mul3A_219 = arith.mulf %add3A_218, %broadcast_in_dim3A_25 : vector<1x6400xf32>
    %mul3A_220 = arith.mulf %mul3A_219, %broadcast_in_dim3A_25 : vector<1x6400xf32>
    %add3A_221 = arith.addf %mul3A_210, %mul3A_220 : vector<1x6400xf32>
    %div3A_222 = arith.constant 4.000000e+00 : f32
    %div3A_223 = vector.broadcast %div3A_222 : f32 to vector<1x6400xf32>
    %div3A_224 = arith.divf %add3A_221, %div3A_223 : vector<1x6400xf32>
    %mul3A_225 = arith.constant 2.000000e+00 : f32
    %mul3A_226 = vector.broadcast %mul3A_225 : f32 to vector<1x6400xf32>
    %mul3A_227 = arith.mulf %mul3A_226, %slice3A_20 : vector<1x6400xf32>
    %add3A_228 = arith.addf %mul3A_227, %slice3A_21 : vector<1x6400xf32>
    %neg3A_229 = arith.constant 0.000000e+00 : f32
    %neg3A_230 = vector.broadcast %neg3A_229 : f32 to vector<1x6400xf32>
    %neg3A_231 = arith.subf %neg3A_230, %add3A_228 : vector<1x6400xf32>
    %mul3A_232 = arith.mulf %neg3A_231, %div3A_224 : vector<1x6400xf32>
    %div3A_233 = arith.constant 2.000000e+00 : f32
    %div3A_234 = vector.broadcast %div3A_233 : f32 to vector<1x6400xf32>
    %div3A_235 = arith.divf %div3A_73, %div3A_234 : vector<1x6400xf32>
    %mul3A_236 = arith.mulf %div3A_235, %broadcast_in_dim3A_29 : vector<1x6400xf32>
    %div3A_237 = arith.constant 2.000000e+00 : f32
    %div3A_238 = vector.broadcast %div3A_237 : f32 to vector<1x6400xf32>
    %div3A_239 = arith.divf %div3A_73, %div3A_238 : vector<1x6400xf32>
    %sub3A_240 = arith.subf %div3A_82, %div3A_73 : vector<1x6400xf32>
    %div3A_241 = arith.constant 3.000000e+00 : f32
    %div3A_242 = vector.broadcast %div3A_241 : f32 to vector<1x6400xf32>
    %div3A_243 = arith.divf %sub3A_240, %div3A_242 : vector<1x6400xf32>
    %add3A_244 = arith.addf %div3A_239, %div3A_243 : vector<1x6400xf32>
    %mul3A_245 = arith.mulf %add3A_244, %broadcast_in_dim3A_25 : vector<1x6400xf32>
    %mul3A_246 = arith.mulf %mul3A_245, %broadcast_in_dim3A_25 : vector<1x6400xf32>
    %add3A_247 = arith.addf %mul3A_236, %mul3A_246 : vector<1x6400xf32>
    %mul3A_248 = arith.mulf %add3A_247, %slice3A_18 : vector<1x6400xf32>
    %div3A_249 = arith.constant 4.000000e+00 : f32
    %div3A_250 = vector.broadcast %div3A_249 : f32 to vector<1x6400xf32>
    %div3A_251 = arith.divf %mul3A_248, %div3A_250 : vector<1x6400xf32>
    %div3A_252 = arith.constant 2.000000e+00 : f32
    %div3A_253 = vector.broadcast %div3A_252 : f32 to vector<1x6400xf32>
    %div3A_254 = arith.divf %div3A_100, %div3A_253 : vector<1x6400xf32>
    %mul3A_255 = arith.mulf %div3A_254, %broadcast_in_dim3A_29 : vector<1x6400xf32>
    %div3A_256 = arith.constant 2.000000e+00 : f32
    %div3A_257 = vector.broadcast %div3A_256 : f32 to vector<1x6400xf32>
    %div3A_258 = arith.divf %div3A_100, %div3A_257 : vector<1x6400xf32>
    %sub3A_259 = arith.subf %div3A_109, %div3A_100 : vector<1x6400xf32>
    %div3A_260 = arith.constant 3.000000e+00 : f32
    %div3A_261 = vector.broadcast %div3A_260 : f32 to vector<1x6400xf32>
    %div3A_262 = arith.divf %sub3A_259, %div3A_261 : vector<1x6400xf32>
    %add3A_263 = arith.addf %div3A_258, %div3A_262 : vector<1x6400xf32>
    %mul3A_264 = arith.mulf %add3A_263, %broadcast_in_dim3A_25 : vector<1x6400xf32>
    %mul3A_265 = arith.mulf %mul3A_264, %broadcast_in_dim3A_25 : vector<1x6400xf32>
    %add3A_266 = arith.addf %mul3A_255, %mul3A_265 : vector<1x6400xf32>
    %mul3A_267 = arith.mulf %add3A_266, %slice3A_19 : vector<1x6400xf32>
    %div3A_268 = arith.constant 4.000000e+00 : f32
    %div3A_269 = vector.broadcast %div3A_268 : f32 to vector<1x6400xf32>
    %div3A_270 = arith.divf %mul3A_267, %div3A_269 : vector<1x6400xf32>
    %add3A_271 = arith.addf %div3A_251, %div3A_270 : vector<1x6400xf32>
    %mul3A_272 = arith.constant 2.000000e+00 : f32
    %mul3A_273 = vector.broadcast %mul3A_272 : f32 to vector<1x6400xf32>
    %mul3A_274 = arith.mulf %mul3A_273, %slice3A_20 : vector<1x6400xf32>
    %sub3A_275 = arith.subf %mul3A_274, %slice3A_21 : vector<1x6400xf32>
    %neg3A_276 = arith.constant 0.000000e+00 : f32
    %neg3A_277 = vector.broadcast %neg3A_276 : f32 to vector<1x6400xf32>
    %neg3A_278 = arith.subf %neg3A_277, %sub3A_275 : vector<1x6400xf32>
    %mul3A_279 = arith.mulf %neg3A_278, %mul3A_121 : vector<1x6400xf32>
    %mul3A_280 = arith.mulf %div3A_91, %slice3A_18 : vector<1x6400xf32>
    %mul3A_281 = arith.mulf %div3A_118, %slice3A_19 : vector<1x6400xf32>
    %sub3A_282 = arith.subf %mul3A_280, %mul3A_281 : vector<1x6400xf32>
    %mul3A_283 = arith.constant 4.000000e+00 : f32
    %mul3A_284 = vector.broadcast %mul3A_283 : f32 to vector<1x6400xf32>
    %mul3A_285 = arith.mulf %mul3A_284, %mul3A_119 : vector<1x6400xf32>
    %div3A_286 = arith.constant 2.000000e+00 : f32
    %div3A_287 = vector.broadcast %div3A_286 : f32 to vector<1x6400xf32>
    %div3A_288 = arith.divf %mul3A_285, %div3A_287 : vector<1x6400xf32>
    %sub3A_289 = arith.subf %mul3A_120, %mul3A_119 : vector<1x6400xf32>
    %div3A_290 = arith.constant 3.000000e+00 : f32
    %div3A_291 = vector.broadcast %div3A_290 : f32 to vector<1x6400xf32>
    %div3A_292 = arith.divf %sub3A_289, %div3A_291 : vector<1x6400xf32>
    %add3A_293 = arith.addf %div3A_288, %div3A_292 : vector<1x6400xf32>
    %neg3A_294 = arith.constant 0.000000e+00 : f32
    %neg3A_295 = vector.broadcast %neg3A_294 : f32 to vector<1x6400xf32>
    %neg3A_296 = arith.subf %neg3A_295, %add3A_293 : vector<1x6400xf32>
    %add3A_297 = arith.addf %slice3A_14, %slice3A_15 : vector<1x6400xf32>
    %mul3A_298 = arith.mulf %add3A_297, %div3A_224 : vector<1x6400xf32>
    %add3A_299 = arith.addf %mul3A_232, %add3A_271 : vector<1x6400xf32>
    %mul3A_300 = vector.broadcast %get3A_35 : vector<1x1xf32> to vector<1x6400xf32>
    %mul3A_301 = arith.mulf %neg3A_296, %mul3A_300 : vector<1x6400xf32>
    %add3A_302 = arith.addf %add3A_299, %mul3A_301 : vector<1x6400xf32>
    %mul3A_303 = vector.broadcast %get3A_32 : vector<1x1xf32> to vector<1x6400xf32>
    %mul3A_304 = arith.mulf %mul3A_303, %add3A_302 : vector<1x6400xf32>
    %add3A_305 = arith.addf %mul3A_298, %mul3A_304 : vector<1x6400xf32>
    %sub3A_306 = arith.subf %slice3A_14, %slice3A_15 : vector<1x6400xf32>
    %mul3A_307 = arith.mulf %sub3A_306, %mul3A_121 : vector<1x6400xf32>
    %add3A_308 = arith.addf %mul3A_279, %sub3A_282 : vector<1x6400xf32>
    %mul3A_309 = vector.broadcast %get3A_32 : vector<1x1xf32> to vector<1x6400xf32>
    %mul3A_310 = arith.mulf %mul3A_309, %add3A_308 : vector<1x6400xf32>
    %add3A_311 = arith.addf %mul3A_307, %mul3A_310 : vector<1x6400xf32>
    %add3A_312 = arith.addf %add3A_305, %add3A_311 : vector<1x6400xf32>
    %sub3A_313 = arith.subf %add3A_305, %add3A_311 : vector<1x6400xf32>
    %get3A_314 = arith.constant 0 : index
    %get3A_315 = arith.constant 0 : index
    %get3A_316 = vector.load %arg3[%get3A_314, %get3A_315] : memref<9x6400xf32, #tpu.memory_space<vmem>>, vector<9x6400xf32>
    %slice3A_317 = vector.extract_strided_slice %get3A_316 {offsets = [0, 0], sizes = [1, 6400], strides = [1, 1]} : vector<9x6400xf32> to vector<1x6400xf32>
    %slice3A_318 = vector.extract_strided_slice %get3A_316 {offsets = [4, 0], sizes = [1, 6400], strides = [1, 1]} : vector<9x6400xf32> to vector<1x6400xf32>
    %add3A_319 = arith.addf %slice3A_317, %slice3A_318 : vector<1x6400xf32>
    %slice3A_320 = vector.extract_strided_slice %get3A_316 {offsets = [8, 0], sizes = [1, 6400], strides = [1, 1]} : vector<9x6400xf32> to vector<1x6400xf32>
    %add3A_321 = arith.addf %add3A_319, %slice3A_320 : vector<1x6400xf32>
    %div3A_322 = arith.constant 3.000000e+00 : f32
    %div3A_323 = vector.broadcast %div3A_322 : f32 to vector<1x6400xf32>
    %div3A_324 = arith.divf %add3A_321, %div3A_323 : vector<1x6400xf32>
    %slice3A_325 = vector.extract_strided_slice %get3A_316 {offsets = [1, 0], sizes = [1, 6400], strides = [1, 1]} : vector<9x6400xf32> to vector<1x6400xf32>
    %slice3A_326 = vector.extract_strided_slice %get3A_316 {offsets = [3, 0], sizes = [1, 6400], strides = [1, 1]} : vector<9x6400xf32> to vector<1x6400xf32>
    %add3A_327 = arith.addf %slice3A_325, %slice3A_326 : vector<1x6400xf32>
    %mul3A_328 = arith.constant 5.000000e-01 : f32
    %mul3A_329 = vector.broadcast %mul3A_328 : f32 to vector<1x6400xf32>
    %mul3A_330 = arith.mulf %add3A_327, %mul3A_329 : vector<1x6400xf32>
    %slice3A_331 = vector.extract_strided_slice %get3A_316 {offsets = [2, 0], sizes = [1, 6400], strides = [1, 1]} : vector<9x6400xf32> to vector<1x6400xf32>
    %slice3A_332 = vector.extract_strided_slice %get3A_316 {offsets = [6, 0], sizes = [1, 6400], strides = [1, 1]} : vector<9x6400xf32> to vector<1x6400xf32>
    %add3A_333 = arith.addf %slice3A_331, %slice3A_332 : vector<1x6400xf32>
    %mul3A_334 = arith.constant 5.000000e-01 : f32
    %mul3A_335 = vector.broadcast %mul3A_334 : f32 to vector<1x6400xf32>
    %mul3A_336 = arith.mulf %add3A_333, %mul3A_335 : vector<1x6400xf32>
    %slice3A_337 = vector.extract_strided_slice %get3A_316 {offsets = [5, 0], sizes = [1, 6400], strides = [1, 1]} : vector<9x6400xf32> to vector<1x6400xf32>
    %slice3A_338 = vector.extract_strided_slice %get3A_316 {offsets = [7, 0], sizes = [1, 6400], strides = [1, 1]} : vector<9x6400xf32> to vector<1x6400xf32>
    %add3A_339 = arith.addf %slice3A_337, %slice3A_338 : vector<1x6400xf32>
    %mul3A_340 = arith.constant 5.000000e-01 : f32
    %mul3A_341 = vector.broadcast %mul3A_340 : f32 to vector<1x6400xf32>
    %mul3A_342 = arith.mulf %add3A_339, %mul3A_341 : vector<1x6400xf32>
    %slice3A_343 = vector.extract_strided_slice %div3A_12 {offsets = [0, 0], sizes = [1, 6400], strides = [1, 1]} : vector<3x6400xf32> to vector<1x6400xf32>
    %slice3A_344 = vector.extract_strided_slice %div3A_12 {offsets = [1, 0], sizes = [1, 6400], strides = [1, 1]} : vector<3x6400xf32> to vector<1x6400xf32>
    %slice3A_345 = vector.extract_strided_slice %div3A_12 {offsets = [2, 0], sizes = [1, 6400], strides = [1, 1]} : vector<3x6400xf32> to vector<1x6400xf32>
    %slice3A_346 = vector.extract_strided_slice %get3A_316 {offsets = [0, 0], sizes = [1, 6400], strides = [1, 1]} : vector<9x6400xf32> to vector<1x6400xf32>
    %mul3A_347 = arith.mulf %slice3A_346, %slice3A_343 : vector<1x6400xf32>
    %mul3A_348 = arith.mulf %mul3A_330, %slice3A_344 : vector<1x6400xf32>
    %add3A_349 = arith.addf %mul3A_347, %mul3A_348 : vector<1x6400xf32>
    %mul3A_350 = arith.mulf %mul3A_336, %slice3A_345 : vector<1x6400xf32>
    %add3A_351 = arith.addf %add3A_349, %mul3A_350 : vector<1x6400xf32>
    %mul3A_352 = arith.mulf %mul3A_330, %slice3A_343 : vector<1x6400xf32>
    %slice3A_353 = vector.extract_strided_slice %get3A_316 {offsets = [4, 0], sizes = [1, 6400], strides = [1, 1]} : vector<9x6400xf32> to vector<1x6400xf32>
    %mul3A_354 = arith.mulf %slice3A_353, %slice3A_344 : vector<1x6400xf32>
    %add3A_355 = arith.addf %mul3A_352, %mul3A_354 : vector<1x6400xf32>
    %mul3A_356 = arith.mulf %mul3A_342, %slice3A_345 : vector<1x6400xf32>
    %add3A_357 = arith.addf %add3A_355, %mul3A_356 : vector<1x6400xf32>
    %mul3A_358 = arith.mulf %mul3A_336, %slice3A_343 : vector<1x6400xf32>
    %mul3A_359 = arith.mulf %mul3A_342, %slice3A_344 : vector<1x6400xf32>
    %add3A_360 = arith.addf %mul3A_358, %mul3A_359 : vector<1x6400xf32>
    %slice3A_361 = vector.extract_strided_slice %get3A_316 {offsets = [8, 0], sizes = [1, 6400], strides = [1, 1]} : vector<9x6400xf32> to vector<1x6400xf32>
    %mul3A_362 = arith.mulf %slice3A_361, %slice3A_345 : vector<1x6400xf32>
    %add3A_363 = arith.addf %add3A_360, %mul3A_362 : vector<1x6400xf32>
    %concatenate3A = tpu.concatenate %add3A_351, %add3A_357, %add3A_363 in 0 : vector<1x6400xf32>, vector<1x6400xf32>, vector<1x6400xf32> -> vector<3x6400xf32>
    %mul3A_364 = vector.broadcast %mul3A_62 : vector<1x6400xf32> to vector<3x6400xf32>
    %mul3A_365 = arith.mulf %mul3A_364, %concatenate3A : vector<3x6400xf32>
    %sub3A_366 = arith.subf %mul3A_63, %mul3A_62 : vector<1x6400xf32>
    %mul3A_367 = arith.mulf %sub3A_366, %div3A_324 : vector<1x6400xf32>
    %mul3A_368 = vector.broadcast %mul3A_367 : vector<1x6400xf32> to vector<3x6400xf32>
    %mul3A_369 = arith.mulf %mul3A_368, %div3A_12 : vector<3x6400xf32>
    %add3A_370 = arith.addf %mul3A_365, %mul3A_369 : vector<3x6400xf32>
    %mul3A_371 = vector.broadcast %get3A_38 : vector<1x1xf32> to vector<3x6400xf32>
    %mul3A_372 = arith.mulf %mul3A_371, %add3A_370 : vector<3x6400xf32>
    %neg3A_373 = arith.constant 0.000000e+00 : f32
    %neg3A_374 = vector.broadcast %neg3A_373 : f32 to vector<3x6400xf32>
    %neg3A_375 = arith.subf %neg3A_374, %mul3A_372 : vector<3x6400xf32>
    %mul3A_376 = arith.mulf %add3A_370, %sub3A : vector<3x6400xf32>
    %reduce_sum3A_377 = arith.constant dense<0.000000e+00> : vector<6400xf32>
    %reduce_sum3A_378 = vector.multi_reduction <add>, %mul3A_376, %reduce_sum3A_377 [0] : vector<3x6400xf32> to vector<6400xf32>
    %broadcast_in_dim3A_379 = vector.shape_cast %reduce_sum3A_378 : vector<6400xf32> to vector<1x6400xf32>
    %mul3A_380 = arith.constant -5.000000e-01 : f32
    %mul3A_381 = vector.broadcast %mul3A_380 : f32 to vector<1x6400xf32>
    %mul3A_382 = arith.mulf %mul3A_381, %broadcast_in_dim3A_379 : vector<1x6400xf32>
    %get3A_383 = arith.constant 0 : index
    %get3A_384 = arith.constant 0 : index
    %get3A_385 = vector.load %arg2[%get3A_383, %get3A_384] : memref<1x6400xf32, #tpu.memory_space<vmem>>, vector<1x6400xf32>
    %mul3A_386 = arith.mulf %mul3A_64, %get3A_385 : vector<1x6400xf32>
    %add3A_387 = arith.addf %mul3A_382, %mul3A_386 : vector<1x6400xf32>
    %sub3A_388 = arith.subf %mul3A_382, %mul3A_386 : vector<1x6400xf32>
    %concatenate3A_389 = tpu.concatenate %mul3A_204, %add3A_312, %mul3A_372, %add3A_387 in 0 : vector<3x6400xf32>, vector<1x6400xf32>, vector<3x6400xf32>, vector<1x6400xf32> -> vector<8x6400xf32>
    %transpose3A_390 = tpu.transpose %concatenate3A_389, [1, 0] : vector<8x6400xf32> -> vector<6400x8xf32>
    %swap3A = arith.constant 0 : index
    %swap3A_391 = arith.constant 0 : index
    %swap3A_392 = vector.load %arg8[%swap3A, %swap3A_391] : memref<6400x8xf32, #tpu.memory_space<vmem>>, vector<6400x8xf32>
    tpu.vector_store %arg8[%swap3A, %swap3A_391], %transpose3A_390 {strides = array<i32>} : memref<6400x8xf32, #tpu.memory_space<vmem>>, vector<6400x8xf32>,
    %concatenate3A_393 = tpu.concatenate %mul3A_206, %sub3A_313, %neg3A_375, %sub3A_388 in 0 : vector<3x6400xf32>, vector<1x6400xf32>, vector<3x6400xf32>, vector<1x6400xf32> -> vector<8x6400xf32>
    %transpose3A_394 = tpu.transpose %concatenate3A_393, [1, 0] : vector<8x6400xf32> -> vector<6400x8xf32>
    %swap3A_395 = arith.constant 0 : index
    %swap3A_396 = arith.constant 0 : index
    %swap3A_397 = vector.load %arg9[%swap3A_395, %swap3A_396] : memref<6400x8xf32, #tpu.memory_space<vmem>>, vector<6400x8xf32>
    tpu.vector_store %arg9[%swap3A_395, %swap3A_396], %transpose3A_394 {strides = array<i32>} : memref<6400x8xf32, #tpu.memory_space<vmem>>, vector<6400x8xf32>,
    return
  }
  func.func @transform_0(%arg0: i32) -> (i32, i32) {
    %c0_i32 = arith.constant 0 : i32
    %c0_i32_0 = arith.constant 0 : i32
    return %c0_i32, %arg0 : i32, i32
  }
  func.func @transform_1(%arg0: i32) -> (i32, i32) {
    %c0_i32 = arith.constant 0 : i32
    %c0_i32_0 = arith.constant 0 : i32
    return %c0_i32, %arg0 : i32, i32
  }
  func.func @transform_2(%arg0: i32) -> (i32, i32) {
    %c0_i32 = arith.constant 0 : i32
    %c0_i32_0 = arith.constant 0 : i32
    return %c0_i32, %arg0 : i32, i32
  }
  func.func @transform_3(%arg0: i32) -> (i32, i32) {
    %c0_i32 = arith.constant 0 : i32
    %c0_i32_0 = arith.constant 0 : i32
    return %c0_i32, %arg0 : i32, i32
  }
  func.func @transform_4(%arg0: i32) -> (i32, i32) {
    %c0_i32 = arith.constant 0 : i32
    %c0_i32_0 = arith.constant 0 : i32
    return %arg0, %c0_i32 : i32, i32
  }
  func.func @transform_5(%arg0: i32) -> (i32, i32) {
    %add3A = arith.constant 25 : i32
    %add3A_0 = arith.addi %add3A, %arg0 : i32
    %c0_i32 = arith.constant 0 : i32
    %c0_i32_1 = arith.constant 0 : i32
    return %add3A_0, %c0_i32 : i32, i32
  }
  func.func @transform_6(%arg0: i32) -> (i32, i32) {
    %c0_i32 = arith.constant 0 : i32
    %c0_i32_0 = arith.constant 0 : i32
    %c0_i32_1 = arith.constant 0 : i32
    return %c0_i32, %c0_i32_0 : i32, i32
  }
  func.func @transform_7(%arg0: i32) -> (i32, i32) {
    %c0_i32 = arith.constant 0 : i32
    %c0_i32_0 = arith.constant 0 : i32
    return %arg0, %c0_i32 : i32, i32
  }
  func.func @transform_8(%arg0: i32) -> (i32, i32) {
    %c0_i32 = arith.constant 0 : i32
    %c0_i32_0 = arith.constant 0 : i32
    return %arg0, %c0_i32 : i32, i32
  }
}

</mosaic_0001>

<sc_bundles>
// kernel: kernel.5.cloned.1.call-start
scs
__scs_entry_jumppad:
0x0: {  	(pc) =	sbr.rel $0x88, $3  }
0x1: {  	(tag) =	ssettag $0x0;
	lr =	simm.s32 $0x1  }
0x2: {  	[smem:$0x3F7A] =	sst lr;
	_ =	strace $0xD0000000  }
0x3: {  	_ = 	snop  }
0x4: {  	_ = 	snop  }
0x5: {  	_ = 	snop  }
0x6: {  	_ = 	snop  }
0x7: {  	_ = 	snop  }
__scs_overlays_trampoline_lowered:
0x8: {  	[smem:$0x3F89] =	sst s0  }
0x9: {  	[smem:$0x3F8A] =	sst s1  }
0xa: {  	[smem:$0x3F8B] =	sst s2  }
0xb: {  	[smem:$0x3F8C] =	sst s3  }
0xc: {  	[smem:$0x3F8D] =	sst s4  }
0xd: {  	[smem:$0x3F8E] =	sst s5  }
0xe: {  	[smem:$0x3F8F] =	sst s6  }
0xf: {  	[smem:$0x3F90] =	sst s7  }
0x10: {  	[smem:$0x3F91] =	sst s8  }
0x11: {  	[smem:$0x3F92] =	sst s9;
	s0 =	simm.s32 @!p0 $0x0  }
0x12: {  	s1 =	sld [smem:$0x3F78];
	s0 =	simm.s32 @p0 $0x1  }
0x13: {  	[smem:$0x3F93] =	sst s0;
	s0 =	simm.s32 @!p1 $0x0  }
0x14: {  	s2 =	sld [smem:$0x3F77];
	s0 =	simm.s32 @p1 $0x1  }
0x15: {  	[smem:$0x3F94] =	sst s0;
	s0 =	simm.s32 @!p2 $0x0  }
0x16: {  	s3 =	sld [smem:$0x3FDB];
	s0 =	simm.s32 @p2 $0x1  }
0x17: {  	s4 =	simm.s32 $0x1BF5;
	[smem:$0x3F96] =	sst s0  }
0x18: {  	s0 =	sld [smem:$0x3F79];
	_ =	swait.ge [sflag:s4], $0x0  }
0x19: {  	s7 =	sld [smem:$0x3F7A]  }
0x1a: {  	s8 =	sadd.s32 $0xFFFFE003, lr  }
0x1b: {  	s9 =	sadd.s32 $0xFFFFFEF7, lr;
	s5 =	simm.s32 $0xFFFFFFFF;
	p2 =	slt.u32 s8, $0xFFFFF086  }
0x1c: {  	p1 =	slt.u32 s9, $0xF7A;
	s5 =	simm.s32 @!p2 $0x0  }
0x1d: {  	s5 =	simm.s32 @p1 $0x1;
	p0 =	seq.s32 s7, s2  }
0x1e: {  	s7 =	smul.u32 @!p0 $0xF7A, s2;
	p2 =	seq.s32 @!p0 s5, $0x0  }
0x1f: {  	s9 =	smul.u32 $0xF7A, s1;
	s8 =	simm.s32 @!p0 $0x1BF5;
	p2 =	por !p2, p0  }
0x20: {  	[sflag:s8] =	ssyncset.s32 @!p0 $0xFFFFF086;
	s6 =	sadd.s32 @!p0 s3, s7;
	s7 =	simm.s32 @!p0 $0x108  }
0x21: {  	s3 =	sadd.s32 s3, s9;
	s6 =	sadd.s32 @!p0 $0x88, s6;
	s7 =	simm.s32 @p2 $0x1082  }
0x22: {  	[simem:s7], [sflag:s8] =	dma.local @!p0 [hbm:s6], $0xF7A  }
0x23: {  	s9 =	sor.u32 $0xD0000000, s2;
	s6 =	simm.s32 $0x108;
	_ =	swait.ge @!p0 [sflag:s8], $0x0  }
0x24: {  	s3 =	sadd.s32 $0x88, s3;
	s6 =	simm.s32 @!p1 $0x1082;
	[sflag:s4] =	ssyncset.s32 $0xFFFFF086  }
0x25: {  	[simem:s6], [sflag:s4] =	dma.local [hbm:s3], $0xF7A  }
0x26: {  	[smem:$0x3F7A] =	sst s1;
	(tag) =	ssettag s2;
	_ =	strace s9  }
0x27: {  	s1 =	sld [smem:$0x3F8A]  }
0x28: {  	s2 =	sld [smem:$0x3F8B]  }
0x29: {  	s4 =	sld [smem:$0x3F8D]  }
0x2a: {  	p0 =	seq.s32 s5, $0x0;
	s5 =	sld [smem:$0x3F8E]  }
0x2b: {  	s6 =	sld [smem:$0x3F8F]  }
0x2c: {  	s7 =	sld [smem:$0x3F90]  }
0x2d: {  	s3 =	simm.s32 $0x108;
	s8 =	sld [smem:$0x3F91]  }
0x2e: {  	s3 =	simm.s32 @!p0 $0x1082;
	s9 =	sld [smem:$0x3F92]  }
0x2f: {  	lr =	sadd.s32 s0, s3;
	s0 =	sld [smem:$0x3F89]  }
0x30: {  	s3 =	sld [smem:$0x3F8C]  }
0x31: {  	[smem:$0x3F95] =	sst s10  }
0x32: {  	s10 =	sld [smem:$0x3F93];
	_ =	sdelay $0x3  }
0x33: {  	p0 =	seq.s32 s10, $0x1;
	s10 =	sld [smem:$0x3F95];
	_ =	sdelay $0x3  }
0x34: {  	[smem:$0x3F95] =	sst s10  }
0x35: {  	s10 =	sld [smem:$0x3F94];
	_ =	sdelay $0x3  }
0x36: {  	p1 =	seq.s32 s10, $0x1;
	s10 =	sld [smem:$0x3F95];
	_ =	sdelay $0x3  }
0x37: {  	[smem:$0x3F95] =	sst s10  }
0x38: {  	s10 =	sld [smem:$0x3F96]  }
0x39: {  	_ = 	snop;
	(pc) =	sbr.ind lr, $3  }
0x3a: {  	_ = 	snop  }
0x3b: {  	_ = 	snop  }
0x3c: {  	p2 =	seq.s32 s10, $0x1;
	s10 =	sld [smem:$0x3F95]  }
0x3d: {  	_ =	shalt  }
0x3e: {  	_ =	shalt  }
0x3f: {  	_ =	shalt  }
0x40: {  	_ =	shalt  }
0x41: {  	_ =	shalt  }
0x42: {  	_ =	shalt  }
0x43: {  	_ =	shalt  }
0x44: {  	_ =	shalt  }
0x45: {  	_ =	shalt  }
0x46: {  	_ =	shalt  }
0x47: {  	_ =	shalt  }
0x48: {  	_ =	shalt  }
0x49: {  	_ =	shalt  }
0x4a: {  	_ =	shalt  }
0x4b: {  	_ =	shalt  }
0x4c: {  	_ =	shalt  }
0x4d: {  	_ =	shalt  }
0x4e: {  	_ =	shalt  }
0x4f: {  	_ =	shalt  }
0x50: {  	_ =	shalt  }
0x51: {  	_ =	shalt  }
0x52: {  	_ =	shalt  }
0x53: {  	_ =	shalt  }
0x54: {  	_ =	shalt  }
0x55: {  	_ =	shalt  }
0x56: {  	_ =	shalt  }
0x57: {  	_ =	shalt  }
0x58: {  	_ =	shalt  }
0x59: {  	_ =	shalt  }
0x5a: {  	_ =	shalt  }
0x5b: {  	_ =	shalt  }
0x5c: {  	_ =	shalt  }
0x5d: {  	_ =	shalt  }
0x5e: {  	_ =	shalt  }
0x5f: {  	_ =	shalt  }
0x60: {  	_ =	shalt  }
0x61: {  	_ =	shalt  }
0x62: {  	_ =	shalt  }
0x63: {  	_ =	shalt  }
0x64: {  	_ =	shalt  }
0x65: {  	_ =	shalt  }
0x66: {  	_ =	shalt  }
0x67: {  	_ =	shalt  }
0x68: {  	_ =	shalt  }
0x69: {  	_ =	shalt  }
0x6a: {  	_ =	shalt  }
0x6b: {  	_ =	shalt  }
0x6c: {  	_ =	shalt  }
0x6d: {  	_ =	shalt  }
0x6e: {  	_ =	shalt  }
0x6f: {  	_ =	shalt  }
0x70: {  	_ =	shalt  }
0x71: {  	_ =	shalt  }
0x72: {  	_ =	shalt  }
0x73: {  	_ =	shalt  }
0x74: {  	_ =	shalt  }
0x75: {  	_ =	shalt  }
0x76: {  	_ =	shalt  }
0x77: {  	_ =	shalt  }
0x78: {  	_ =	shalt  }
0x79: {  	_ =	shalt  }
0x7a: {  	_ =	shalt  }
0x7b: {  	_ =	shalt  }
0x7c: {  	_ =	shalt  }
0x7d: {  	_ =	shalt  }
0x7e: {  	_ =	shalt  }
0x7f: {  	_ =	shalt  }
0x80: {  	_ =	shalt  }
0x81: {  	_ =	shalt  }
0x82: {  	_ =	shalt  }
0x83: {  	_ =	shalt  }
0x84: {  	_ =	shalt  }
0x85: {  	_ =	shalt  }
0x86: {  	_ =	shalt  }
0x87: {  	_ =	shalt  }
.Lfunc_end0:
.L_simem_size_0:
called_computation_lowered:
.L_overlay_start_0:
0x88: {  	s2 =	sld [smem:$0x3FD9]  }
0x89: {  	s3 =	sld [smem:$0x3FFE];
	_ =	sdelay $0x1  }
0x8a: {  	s1 =	srdreg.scid  }
0x8b: {  	s0 =	sand.u32 $0x1, s1  }
0x8c: {  	s17 =	sshll.u32 s0, $0xA;
	s2 =	sadd.s32 s3, s2  }
0x8d: {  	s2 =	sadd.s32 s2, s17  }
0x8e: {  	[smem:$0x3FA1] =	sst s2  }
0x8f: {  	_ = 	snop  }
0x90: {  	s2 =	sld [smem:$0x3FD0];
	(tm) =	ssettm $0x1  }
0x91: {  	s18 =	sld [smem:$0x3FFB];
	_ =	sdelay $0x3  }
0x92: {  	_ =	strace s18  }
0x93: {  	s3 =	sld [smem:$0x3FFC];
	_ =	sdelay $0x3  }
0x94: {  	_ =	strace s3  }
0x95: {  	s3 =	sld [smem:$0x3FFD];
	_ =	sdelay $0x3  }
0x96: {  	_ =	strace s3  }
0x97: {  	_ =	strace $0x8FFFFFFF  }
0x98: {  	s19 =	sld [smem:$0x3FDB];
	_ =	sdelay $0x1  }
0x99: {  	s4 =	simm.s32 $_scs_section_size  }
0x9a: {  	s5 =	simm.s32 $_size__tile_overlayer_lowered;
	s6 =	simm.s32 $_tile_overlayer_lowered  }
0x9b: {  	s22 =	simm.s32 $0x1BFF;
	s21 =	sshll.u32 s6, $0x1;
	s3 =	sadd.s32 s4, s19  }
0x9c: {  	s7 =	simm.s32 $0x0;
	s20 =	sshll.u32 s5, $0x1;
	s5 =	sadd.s32 s21, s3  }
0x9d: {  	[timem:s7], [sflag:s22] =	dma.local [hbm:s5], s20  }
0x9e: {  	_ =	swait.ge [sflag:s22], s20  }
0x9f: {  	s4 =	ssub.s32 $0x0, s20;
	[sflag:s22] =	ssyncset.done $0x0  }
0xa0: {  	[sflag:s22] =	ssyncadd.s32 s4;
	_ =	sdelay $0x1  }
0xa1: {  	s23 =	simm.s32 $0x1B8B  }
0xa2: {  	_ =	swait.ge [sflag:s23], $0x1  }
0xa3: {  	[sflag:s23] =	ssyncset.done $0x0  }
0xa4: {  	s25 =	simm.s32 $0x1B8E;
	s24 =	sld [smem:$0x3FFE];
	[sflag:s23] =	ssyncadd.s32 $0xFFFFFFFF  }
0xa5: {  	s26 =	simm.s32 $execute0_lowered;
	[smem:$0x3FD2] =	sst s25  }
0xa6: {  	s5 =	sshll.u32 s26, $0x1;
	_ =	strace $0x80000046;
	[dreg:$0x1] =	wrdreg $0xFFFFFFFF  }
0xa7: {  	s28 =	simm.s32 $_size_execute0_lowered;
	s3 =	sadd.s32 s3, s5;
	[dreg:$0x0] =	wrdreg $0x0  }
0xa8: {  	s5 =	sshll.u32 s28, $0x1;
	[dreg:$0x2] =	wrdreg s3  }
0xa9: {  	[dreg:$0x3] =	wrdreg s5  }
0xaa: {  	[dreg:$0x4] =	wrdreg $0xC0  }
0xab: {  	_ =	task [dreg:s7], $0x5FFFF  }
0xac: {  	[dreg:$0x1] =	wrdreg $0xFFFFFFFF  }
0xad: {  	[dreg:$0x0] =	wrdreg $0x60  }
0xae: {  	[dreg:$0x2] =	wrdreg s2  }
0xaf: {  	[dreg:$0x3] =	wrdreg s24  }
0xb0: {  	[dreg:$0x4] =	wrdreg $0x9  }
0xb1: {  	_ =	task.clear_ibuf [dreg:s7], $0x5FFFF;
	_ =	strace $0x90000046  }
0xb2: {  	s29 =	simm.s32 $0x9;
	_ =	strace $0x80000048  }
0xb3: {  	_ =	swait.ge [sflag:s29], $0x1  }
0xb4: {  	[sflag:s29] =	ssyncadd.s32 $0xFFFFFFFF  }
0xb5: {  	_ =	strace $0x90000048  }
0xb6: {  	_ =	sfence  }
0xb7: {  	s30 =	sld [smem:$0x0];
	_ =	sdelay $0x2  }
0xb8: {  	s31 =	sshll.u32 s1, $0xD;
	s1 =	sshrl.u32 s1, $0x2  }
0xb9: {  	s3 =	sand.u32 $0x4000, s31;
	s1 =	sadd.s32 s1, s30  }
0xba: {  	s0 =	sor.u32 s3, s0;
	s1 =	sshll.u32 s1, $0x11  }
0xbb: {  	s0 =	sor.u32 s1, s0  }
0xbc: {  	s0 =	sadd.s32 $0x8F2B, s0  }
0xbd: {  	[sflag:s0] =	ssyncadd.remote.s32 $0x1  }
0xbe: {  	_ =	sfence.sel $0xFFFF  }
0xbf: {  	[dreg:$0x0] =	wrdreg $0xFFFFFFFF;
	(pc) =	sbr.abs _section_cstart, $3  }
0xc0: {  	[dreg:$0x1] =	wrdreg $0xFFFFFFFF  }
0xc1: {  	_ =	task.clear_ibuf [dreg:s7], $0x2FFFF;
	_ =	strace $0x9FFFFFFF  }
0xc2: {  	(tm) =	ssettm $0x7FFFFFFF  }
0xc3: {  	_ =	shalt  }
tec
execute0_lowered:
.L_overlay_start_1:
0x0: {  	(tag) =	ssettag $0x1  }
0x1: {  	s1 =	srdreg.scid;
	s2 =	rddreg [dreg:$0x0]  }
0x2: {  	s0 =	stileid.u32;
	s5 =	rddreg [dreg:$0x1]  }
0x3: {  	s3 =	simm.s32 $0x0;
	s4 =	sand.u32 $0x1, s1;
	s30 =	sshll.u32 s0, $0x1  }
0x4: {  	s9 =	simm.s32 $0x2780;
	s10 =	simm.s32 $0x0;
	s6 =	sor.u32 s4, s30  }
0x5: {  	s1 =	rddreg [dreg:$0x2];
	s4 =	ssub.s32 $0x2, s4;
	s7 =	smul.u32 $0x4F0, s6  }
0x6: {  	[smem:$0x7FF] =	sst s3;
	s6 =	smul.u32 $0x2780, s6;
	s8 =	sshrl.u32 s4, $0x1  }
0x7: {  	_ =	strace $0x80000047;
	s31 =	ssub.s32 s4, s8;
	s8 =	simm.s32 $0x80  }
0x8: {  	s7 =	sadd.s32 s7, s5;
	s5 =	sadd.s32 s6, s5;
	s6 =	smax.u32 s31, $0x1  }
0x9: {  	s4 =	sadd.s32 $0xF200, s7;
	s5 =	sadd.s32 $0x19000, s5;
	s7 =	simm.s32 $0x1  }
.LBB2_1:
0xa: {  	[tilespmem:s3], [sflag:$0x1] =	stream.linear.gather [hbm4b:s4+s3], $0x2780, $0x38;
	[tilespmem:$0x16380] =	vst v63  }
0xb: {  	_ =	swait.ge [sflag:s7], $0x2780  }
0xc: {  	[sflag:s7] =	ssyncset.done $0x0  }
0xd: {  	s11 =	simm.s32 $0x0;
	[sflag:s7] =	ssyncadd.s32 $0xFFFFD880  }
0xe: {  	[tilespmem:s9], [sflag:$0x1] =	stream.indirect.gather [hbm4b:s2+s8], $0x8, s11, s8, $0xb8;
	[tilespmem:$0x16380] =	vst v63  }
0xf: {  	_ =	swait.ge [sflag:s7], $0x400  }
0x10: {  	s12 =	simm.s32 $0x2780;
	s11 =	simm.s32 $0x200;
	[sflag:s7] =	ssyncset.done $0x0  }
.LBB2_2:
0x11: {  	s13 =	sshra.s32 s11, $0x2  }
0x12: {  	[sflag:s7] =	ssyncadd.s32 $0xFFFFFC00;
	s12 =	sadd.s32 $0x400, s12;
	p0 =	sne.s32 s11, $0x9C00  }
0x13: {  	[tilespmem:s12], [sflag:$0x1] =	stream.indirect.gather [hbm4b:s2+s8], $0x8, s13, s8, $0xb8;
	[tilespmem:$0x16380] =	vst v63  }
.Ltmp0:
0x14: {  	_ = 	snop;
	(pc) =	sbr.rel @p0 .LBB2_2-.Ltmp0, $4  }
0x15: {  	_ = 	snop  }
0x16: {  	s11 =	sadd.s32 $0x200, s11  }
0x17: {  	_ =	swait.ge [sflag:s7], $0x400  }
0x18: {  	[sflag:s7] =	ssyncset.done $0x0  }
0x19: {  	s10 =	sadd.s32 $0x1, s10  }
0x1a: {  	p0 =	sne.s32 s10, s6  }
.Ltmp1:
0x1b: {  	[sflag:s7] =	ssyncadd.s32 $0xFFFFFC00;
	(pc) =	sbr.rel @p0 .LBB2_1-.Ltmp1, $4  }
0x1c: {  	[hbm4b:s5+s3] =	stream.linear.scatter [tilespmem:s9], [sflag:$0x1], $0x13C00, $0x38;
	[tilespmem:$0x16380] =	vst v63  }
0x1d: {  	_ =	swait.ge [sflag:s7], $0x13C00  }
0x1e: {  	[sflag:s7] =	ssyncset.done $0x0  }
0x1f: {  	[sflag:s7] =	ssyncadd.s32 $0xFFFEC400  }
0x20: {  	_ =	sfence.sel $0x180000  }
0x21: {  	[bflag:$0x0] =	sbarrier.arrive $0xFFFF  }
0x22: {  	p0 =	sne.s32 s0, $0x0;
	_ =	strace $0x90000047  }
0x23: {  	s0 =	sadd.s32 @!p0 $0x100000, s1;
	[bflag:$0x2] =	sbarrier.arrive $0xFFFF  }
0x24: {  	[sflag:s0] =	ssyncadd.tile.s32 @!p0 $0x1;
	_ =	shalt  }
.Lfunc_end2:
_tile_overlayer_lowered:
.L_overlay_start_2:
0x25: {  	(tag) =	ssettag $0x2  }
0x26: {  	s0 =	rddreg [dreg:$0x0];
	s2 =	stileid.u32  }
0x27: {  	s1 =	rddreg [dreg:$0x1];
	p0 =	sne.s32 s2, $0x0  }
0x28: {  	s3 =	rddreg [dreg:$0x2];
	[bflag:$0x3] =	sbarrier.arrive $0xFFFF;
	s2 =	simm.s32 @!p0 $0x1C01  }
0x29: {  	[timem:s3], [sflag:s2] =	dma.local @!p0 [hbm:s0], s1  }
0x2a: {  	s0 =	simm.s32 @!p0 $0x1  }
0x2b: {  	_ =	swait.ge @!p0 [sflag:s0], s1  }
0x2c: {  	s1 =	ssub.s32 @!p0 $0x0, s1;
	[sflag:s0] =	ssyncset.done @!p0 $0x0  }
0x2d: {  	[sflag:s0] =	ssyncadd.s32 @!p0 s1  }
0x2e: {  	[bflag:$0x3] =	sbarrier.arrive $0xFFFF  }
0x2f: {  	_ =	shalt  }

// kernel: kernel.8.cloned.1.call-start
scs
__scs_entry_jumppad:
0x0: {  	(pc) =	sbr.rel $0x88, $3  }
0x1: {  	(tag) =	ssettag $0x0;
	lr =	simm.s32 $0x1  }
0x2: {  	[smem:$0x3F7A] =	sst lr;
	_ =	strace $0xD0000000  }
0x3: {  	_ = 	snop  }
0x4: {  	_ = 	snop  }
0x5: {  	_ = 	snop  }
0x6: {  	_ = 	snop  }
0x7: {  	_ = 	snop  }
__scs_overlays_trampoline_lowered:
0x8: {  	[smem:$0x3F89] =	sst s0  }
0x9: {  	[smem:$0x3F8A] =	sst s1  }
0xa: {  	[smem:$0x3F8B] =	sst s2  }
0xb: {  	[smem:$0x3F8C] =	sst s3  }
0xc: {  	[smem:$0x3F8D] =	sst s4  }
0xd: {  	[smem:$0x3F8E] =	sst s5  }
0xe: {  	[smem:$0x3F8F] =	sst s6  }
0xf: {  	[smem:$0x3F90] =	sst s7  }
0x10: {  	[smem:$0x3F91] =	sst s8  }
0x11: {  	[smem:$0x3F92] =	sst s9;
	s0 =	simm.s32 @!p0 $0x0  }
0x12: {  	s1 =	sld [smem:$0x3F78];
	s0 =	simm.s32 @p0 $0x1  }
0x13: {  	[smem:$0x3F93] =	sst s0;
	s0 =	simm.s32 @!p1 $0x0  }
0x14: {  	s2 =	sld [smem:$0x3F77];
	s0 =	simm.s32 @p1 $0x1  }
0x15: {  	[smem:$0x3F94] =	sst s0;
	s0 =	simm.s32 @!p2 $0x0  }
0x16: {  	s3 =	sld [smem:$0x3FDB];
	s0 =	simm.s32 @p2 $0x1  }
0x17: {  	s4 =	simm.s32 $0x1BF5;
	[smem:$0x3F96] =	sst s0  }
0x18: {  	s0 =	sld [smem:$0x3F79];
	_ =	swait.ge [sflag:s4], $0x0  }
0x19: {  	s7 =	sld [smem:$0x3F7A]  }
0x1a: {  	s8 =	sadd.s32 $0xFFFFE003, lr  }
0x1b: {  	s9 =	sadd.s32 $0xFFFFFEF7, lr;
	s5 =	simm.s32 $0xFFFFFFFF;
	p2 =	slt.u32 s8, $0xFFFFF086  }
0x1c: {  	p1 =	slt.u32 s9, $0xF7A;
	s5 =	simm.s32 @!p2 $0x0  }
0x1d: {  	s5 =	simm.s32 @p1 $0x1;
	p0 =	seq.s32 s7, s2  }
0x1e: {  	s7 =	smul.u32 @!p0 $0xF7A, s2;
	p2 =	seq.s32 @!p0 s5, $0x0  }
0x1f: {  	s9 =	smul.u32 $0xF7A, s1;
	s8 =	simm.s32 @!p0 $0x1BF5;
	p2 =	por !p2, p0  }
0x20: {  	[sflag:s8] =	ssyncset.s32 @!p0 $0xFFFFF086;
	s6 =	sadd.s32 @!p0 s3, s7;
	s7 =	simm.s32 @!p0 $0x108  }
0x21: {  	s3 =	sadd.s32 s3, s9;
	s6 =	sadd.s32 @!p0 $0x88, s6;
	s7 =	simm.s32 @p2 $0x1082  }
0x22: {  	[simem:s7], [sflag:s8] =	dma.local @!p0 [hbm:s6], $0xF7A  }
0x23: {  	s9 =	sor.u32 $0xD0000000, s2;
	s6 =	simm.s32 $0x108;
	_ =	swait.ge @!p0 [sflag:s8], $0x0  }
0x24: {  	s3 =	sadd.s32 $0x88, s3;
	s6 =	simm.s32 @!p1 $0x1082;
	[sflag:s4] =	ssyncset.s32 $0xFFFFF086  }
0x25: {  	[simem:s6], [sflag:s4] =	dma.local [hbm:s3], $0xF7A  }
0x26: {  	[smem:$0x3F7A] =	sst s1;
	(tag) =	ssettag s2;
	_ =	strace s9  }
0x27: {  	s1 =	sld [smem:$0x3F8A]  }
0x28: {  	s2 =	sld [smem:$0x3F8B]  }
0x29: {  	s4 =	sld [smem:$0x3F8D]  }
0x2a: {  	p0 =	seq.s32 s5, $0x0;
	s5 =	sld [smem:$0x3F8E]  }
0x2b: {  	s6 =	sld [smem:$0x3F8F]  }
0x2c: {  	s7 =	sld [smem:$0x3F90]  }
0x2d: {  	s3 =	simm.s32 $0x108;
	s8 =	sld [smem:$0x3F91]  }
0x2e: {  	s3 =	simm.s32 @!p0 $0x1082;
	s9 =	sld [smem:$0x3F92]  }
0x2f: {  	lr =	sadd.s32 s0, s3;
	s0 =	sld [smem:$0x3F89]  }
0x30: {  	s3 =	sld [smem:$0x3F8C]  }
0x31: {  	[smem:$0x3F95] =	sst s10  }
0x32: {  	s10 =	sld [smem:$0x3F93];
	_ =	sdelay $0x3  }
0x33: {  	p0 =	seq.s32 s10, $0x1;
	s10 =	sld [smem:$0x3F95];
	_ =	sdelay $0x3  }
0x34: {  	[smem:$0x3F95] =	sst s10  }
0x35: {  	s10 =	sld [smem:$0x3F94];
	_ =	sdelay $0x3  }
0x36: {  	p1 =	seq.s32 s10, $0x1;
	s10 =	sld [smem:$0x3F95];
	_ =	sdelay $0x3  }
0x37: {  	[smem:$0x3F95] =	sst s10  }
0x38: {  	s10 =	sld [smem:$0x3F96]  }
0x39: {  	_ = 	snop;
	(pc) =	sbr.ind lr, $3  }
0x3a: {  	_ = 	snop  }
0x3b: {  	_ = 	snop  }
0x3c: {  	p2 =	seq.s32 s10, $0x1;
	s10 =	sld [smem:$0x3F95]  }
0x3d: {  	_ =	shalt  }
0x3e: {  	_ =	shalt  }
0x3f: {  	_ =	shalt  }
0x40: {  	_ =	shalt  }
0x41: {  	_ =	shalt  }
0x42: {  	_ =	shalt  }
0x43: {  	_ =	shalt  }
0x44: {  	_ =	shalt  }
0x45: {  	_ =	shalt  }
0x46: {  	_ =	shalt  }
0x47: {  	_ =	shalt  }
0x48: {  	_ =	shalt  }
0x49: {  	_ =	shalt  }
0x4a: {  	_ =	shalt  }
0x4b: {  	_ =	shalt  }
0x4c: {  	_ =	shalt  }
0x4d: {  	_ =	shalt  }
0x4e: {  	_ =	shalt  }
0x4f: {  	_ =	shalt  }
0x50: {  	_ =	shalt  }
0x51: {  	_ =	shalt  }
0x52: {  	_ =	shalt  }
0x53: {  	_ =	shalt  }
0x54: {  	_ =	shalt  }
0x55: {  	_ =	shalt  }
0x56: {  	_ =	shalt  }
0x57: {  	_ =	shalt  }
0x58: {  	_ =	shalt  }
0x59: {  	_ =	shalt  }
0x5a: {  	_ =	shalt  }
0x5b: {  	_ =	shalt  }
0x5c: {  	_ =	shalt  }
0x5d: {  	_ =	shalt  }
0x5e: {  	_ =	shalt  }
0x5f: {  	_ =	shalt  }
0x60: {  	_ =	shalt  }
0x61: {  	_ =	shalt  }
0x62: {  	_ =	shalt  }
0x63: {  	_ =	shalt  }
0x64: {  	_ =	shalt  }
0x65: {  	_ =	shalt  }
0x66: {  	_ =	shalt  }
0x67: {  	_ =	shalt  }
0x68: {  	_ =	shalt  }
0x69: {  	_ =	shalt  }
0x6a: {  	_ =	shalt  }
0x6b: {  	_ =	shalt  }
0x6c: {  	_ =	shalt  }
0x6d: {  	_ =	shalt  }
0x6e: {  	_ =	shalt  }
0x6f: {  	_ =	shalt  }
0x70: {  	_ =	shalt  }
0x71: {  	_ =	shalt  }
0x72: {  	_ =	shalt  }
0x73: {  	_ =	shalt  }
0x74: {  	_ =	shalt  }
0x75: {  	_ =	shalt  }
0x76: {  	_ =	shalt  }
0x77: {  	_ =	shalt  }
0x78: {  	_ =	shalt  }
0x79: {  	_ =	shalt  }
0x7a: {  	_ =	shalt  }
0x7b: {  	_ =	shalt  }
0x7c: {  	_ =	shalt  }
0x7d: {  	_ =	shalt  }
0x7e: {  	_ =	shalt  }
0x7f: {  	_ =	shalt  }
0x80: {  	_ =	shalt  }
0x81: {  	_ =	shalt  }
0x82: {  	_ =	shalt  }
0x83: {  	_ =	shalt  }
0x84: {  	_ =	shalt  }
0x85: {  	_ =	shalt  }
0x86: {  	_ =	shalt  }
0x87: {  	_ =	shalt  }
.Lfunc_end0:
.L_simem_size_0:
called_computation.1_lowered:
.L_overlay_start_0:
0x88: {  	s2 =	sld [smem:$0x3FD9]  }
0x89: {  	s3 =	sld [smem:$0x3FFE];
	_ =	sdelay $0x1  }
0x8a: {  	s1 =	srdreg.scid  }
0x8b: {  	s0 =	sand.u32 $0x1, s1  }
0x8c: {  	s17 =	sshll.u32 s0, $0xA;
	s2 =	sadd.s32 s3, s2  }
0x8d: {  	s2 =	sadd.s32 s2, s17  }
0x8e: {  	[smem:$0x3FA1] =	sst s2  }
0x8f: {  	_ = 	snop  }
0x90: {  	s2 =	sld [smem:$0x3FD0];
	(tm) =	ssettm $0x1  }
0x91: {  	s18 =	sld [smem:$0x3FFB];
	_ =	sdelay $0x3  }
0x92: {  	_ =	strace s18  }
0x93: {  	s3 =	sld [smem:$0x3FFC];
	_ =	sdelay $0x3  }
0x94: {  	_ =	strace s3  }
0x95: {  	s3 =	sld [smem:$0x3FFD];
	_ =	sdelay $0x3  }
0x96: {  	_ =	strace s3  }
0x97: {  	_ =	strace $0x8FFFFFFF  }
0x98: {  	s19 =	sld [smem:$0x3FDB];
	_ =	sdelay $0x1  }
0x99: {  	s4 =	simm.s32 $_scs_section_size  }
0x9a: {  	s5 =	simm.s32 $_size__tile_overlayer_lowered;
	s6 =	simm.s32 $_tile_overlayer_lowered  }
0x9b: {  	s22 =	simm.s32 $0x1BFF;
	s21 =	sshll.u32 s6, $0x1;
	s3 =	sadd.s32 s4, s19  }
0x9c: {  	s7 =	simm.s32 $0x0;
	s20 =	sshll.u32 s5, $0x1;
	s5 =	sadd.s32 s21, s3  }
0x9d: {  	[timem:s7], [sflag:s22] =	dma.local [hbm:s5], s20  }
0x9e: {  	_ =	swait.ge [sflag:s22], s20  }
0x9f: {  	s4 =	ssub.s32 $0x0, s20;
	[sflag:s22] =	ssyncset.done $0x0  }
0xa0: {  	[sflag:s22] =	ssyncadd.s32 s4;
	_ =	sdelay $0x1  }
0xa1: {  	s23 =	simm.s32 $0x1B8B  }
0xa2: {  	_ =	swait.ge [sflag:s23], $0x1  }
0xa3: {  	[sflag:s23] =	ssyncset.done $0x0  }
0xa4: {  	s25 =	simm.s32 $0x1B8E;
	s24 =	sld [smem:$0x3FFE];
	[sflag:s23] =	ssyncadd.s32 $0xFFFFFFFF  }
0xa5: {  	s26 =	simm.s32 $execute0_lowered;
	[smem:$0x3FD2] =	sst s25  }
0xa6: {  	s5 =	sshll.u32 s26, $0x1;
	_ =	strace $0x80000049;
	[dreg:$0x1] =	wrdreg $0xFFFFFFFF  }
0xa7: {  	s28 =	simm.s32 $_size_execute0_lowered;
	s3 =	sadd.s32 s3, s5;
	[dreg:$0x0] =	wrdreg $0x0  }
0xa8: {  	s5 =	sshll.u32 s28, $0x1;
	[dreg:$0x2] =	wrdreg s3  }
0xa9: {  	[dreg:$0x3] =	wrdreg s5  }
0xaa: {  	[dreg:$0x4] =	wrdreg $0xC0  }
0xab: {  	_ =	task [dreg:s7], $0x5FFFF  }
0xac: {  	[dreg:$0x1] =	wrdreg $0xFFFFFFFF  }
0xad: {  	[dreg:$0x0] =	wrdreg $0x60  }
0xae: {  	[dreg:$0x2] =	wrdreg s24  }
0xaf: {  	[dreg:$0x3] =	wrdreg s2  }
0xb0: {  	[dreg:$0x4] =	wrdreg $0xB4000  }
0xb1: {  	[dreg:$0x5] =	wrdreg $0x9  }
0xb2: {  	_ =	task.clear_ibuf [dreg:s7], $0x6FFFF;
	_ =	strace $0x90000049  }
0xb3: {  	s29 =	simm.s32 $0x9;
	_ =	strace $0x8000004B  }
0xb4: {  	_ =	swait.ge [sflag:s29], $0x1  }
0xb5: {  	[sflag:s29] =	ssyncadd.s32 $0xFFFFFFFF  }
0xb6: {  	_ =	strace $0x9000004B  }
0xb7: {  	_ =	sfence  }
0xb8: {  	s30 =	sld [smem:$0x0];
	_ =	sdelay $0x2  }
0xb9: {  	s31 =	sshll.u32 s1, $0xD;
	s1 =	sshrl.u32 s1, $0x2  }
0xba: {  	s3 =	sand.u32 $0x4000, s31;
	s1 =	sadd.s32 s1, s30  }
0xbb: {  	s0 =	sor.u32 s3, s0;
	s1 =	sshll.u32 s1, $0x11  }
0xbc: {  	s0 =	sor.u32 s1, s0  }
0xbd: {  	s0 =	sadd.s32 $0x8F2B, s0  }
0xbe: {  	[sflag:s0] =	ssyncadd.remote.s32 $0x1  }
0xbf: {  	_ =	sfence.sel $0xFFFF  }
0xc0: {  	[dreg:$0x0] =	wrdreg $0xFFFFFFFF;
	(pc) =	sbr.abs _section_cstart, $3  }
0xc1: {  	[dreg:$0x1] =	wrdreg $0xFFFFFFFF  }
0xc2: {  	_ =	task.clear_ibuf [dreg:s7], $0x2FFFF;
	_ =	strace $0x9FFFFFFF  }
0xc3: {  	(tm) =	ssettm $0x7FFFFFFF  }
tec
execute0_lowered:
.L_overlay_start_1:
0x0: {  	(tag) =	ssettag $0x1  }
0x1: {  	s4 =	rddreg [dreg:$0x0]  }
0x2: {  	s1 =	srdreg.scid;
	s6 =	rddreg [dreg:$0x1]  }
0x3: {  	s0 =	stileid.u32;
	s2 =	rddreg [dreg:$0x2];
	s3 =	simm.s32 $0x0  }
0x4: {  	s15 =	simm.s32 $0x0;
	s5 =	sand.u32 $0x1, s1;
	s29 =	sshll.u32 s0, $0x1  }
0x5: {  	s8 =	smul.u32 $0x13C0, s0;
	[smem:$0x7FF] =	sst s3;
	s31 =	sshll.u32 s0, $0x6  }
0x6: {  	s1 =	sor.u32 s5, s29;
	s9 =	smul.u32 $0x13C00, s5;
	s5 =	ssub.s32 $0x2, s5  }
0x7: {  	s7 =	smul.u32 $0x1400, s1;
	s1 =	rddreg [dreg:$0x3];
	_ =	strace $0x8000004A  }
0x8: {  	s11 =	sshrl.u32 s5, $0x1;
	s14 =	sadd.s32 s8, s2;
	s30 =	sshrl.u32 s8, $0x3  }
0x9: {  	s9 =	sadd.s32 s8, s9;
	s11 =	ssub.s32 s5, s11;
	s5 =	sor.u32 $0x1C01, s31  }
0xa: {  	s10 =	sadd.s32 s7, s4;
	s7 =	sshrl.u32 s7, $0x3;
	s9 =	sshrl.u32 s9, $0x3  }
0xb: {  	s11 =	smax.u32 s11, $0x1;
	s12 =	sadd.s32 s7, s4;
	s13 =	sadd.s32 s9, s4  }
0xc: {  	s4 =	sadd.s32 s6, s30;
	s7 =	sadd.s32 $0x2D200, s10;
	s9 =	sadd.s32 $0x5200, s10  }
0xd: {  	s6 =	sadd.s32 $0x68000, s12;
	s8 =	sadd.s32 $0x6D000, s12;
	s10 =	sadd.s32 $0x72000, s13  }
0xe: {  	s12 =	sshrl.u32 s14, $0x3;
	s13 =	simm.s32 $0x1;
	s14 =	simm.s32 $0x80  }
.LBB2_1:
0xf: {  	[spmem:s12], [sflag:s5] =	dma.local [hbm:s4], $0x278  }
0x10: {  	_ =	swait.ge [sflag:s13], $0x278  }
0x11: {  	[sflag:s13] =	ssyncset.done $0x0  }
0x12: {  	[sflag:s13] =	ssyncadd.s32 $0xFFFFFD88  }
0x13: {  	[bflag:$0x0] =	sbarrier.arrive $0xFFFF  }
0x14: {  	[tilespmem:s3], [sflag:$0x1] =	stream.linear.gather [hbm4b:s6+s3], $0x1400, $0x38;
	[tilespmem:$0xC7C0] =	vst v63  }
0x15: {  	_ =	swait.ge [sflag:s13], $0x1400  }
0x16: {  	[sflag:s13] =	ssyncset.done $0x0  }
0x17: {  	s16 =	simm.s32 $0x1400;
	[sflag:s13] =	ssyncadd.s32 $0xFFFFEC00  }
0x18: {  	[tilespmem:s16], [sflag:$0x1] =	stream.linear.gather [hbm4b:s7+s3], $0xA000, $0x38;
	[tilespmem:$0xC7C0] =	vst v63  }
0x19: {  	_ =	swait.ge [sflag:s13], $0xA000  }
0x1a: {  	[sflag:s13] =	ssyncset.done $0x0  }
0x1b: {  	s17 =	simm.s32 $0x0;
	[sflag:s13] =	ssyncadd.s32 $0xFFFF6000  }
0x1c: {  	[spmem:s2] =	stream.indirect.scatter.add.f32 [tilespmem:s16], [sflag:$0x1], $0x8, s17, s14, $0xb8;
	[tilespmem:$0xC7C0] =	vst v63  }
0x1d: {  	_ =	swait.ge [sflag:s13], $0x400  }
0x1e: {  	s17 =	simm.s32 $0x200;
	[sflag:s13] =	ssyncset.done $0x0  }
.LBB2_2:
0x1f: {  	s18 =	sshra.s32 s17, $0x2  }
0x20: {  	[sflag:s13] =	ssyncadd.s32 $0xFFFFFC00;
	s16 =	sadd.s32 $0x400, s16;
	p0 =	sne.s32 s17, $0x4E00  }
0x21: {  	[spmem:s2] =	stream.indirect.scatter.add.f32 [tilespmem:s16], [sflag:$0x1], $0x8, s18, s14, $0xb8;
	[tilespmem:$0xC7C0] =	vst v63  }
.Ltmp0:
0x22: {  	_ = 	snop;
	(pc) =	sbr.rel @p0 .LBB2_2-.Ltmp0, $4  }
0x23: {  	_ = 	snop  }
0x24: {  	s17 =	sadd.s32 $0x200, s17  }
0x25: {  	_ =	swait.ge [sflag:s13], $0x400  }
0x26: {  	[sflag:s13] =	ssyncset.done $0x0  }
0x27: {  	[sflag:s13] =	ssyncadd.s32 $0xFFFFFC00;
	s17 =	simm.s32 $0x0  }
0x28: {  	[tilespmem:s17], [sflag:$0x1] =	stream.linear.gather [hbm4b:s8+s17], $0x1400, $0x38;
	[tilespmem:$0xC7C0] =	vst v63  }
0x29: {  	_ =	swait.ge [sflag:s13], $0x1400  }
0x2a: {  	[sflag:s13] =	ssyncset.done $0x0  }
0x2b: {  	s16 =	simm.s32 $0x1400;
	[sflag:s13] =	ssyncadd.s32 $0xFFFFEC00  }
0x2c: {  	[tilespmem:s16], [sflag:$0x1] =	stream.linear.gather [hbm4b:s9+s17], $0xA000, $0x38;
	[tilespmem:$0xC7C0] =	vst v63  }
0x2d: {  	_ =	swait.ge [sflag:s13], $0xA000  }
0x2e: {  	[sflag:s13] =	ssyncset.done $0x0  }
0x2f: {  	s31 =	simm.s32 $0x0;
	[sflag:s13] =	ssyncadd.s32 $0xFFFF6000  }
0x30: {  	[spmem:s2] =	stream.indirect.scatter.add.f32 [tilespmem:s16], [sflag:$0x1], $0x8, s31, s14, $0xb8;
	[tilespmem:$0xC7C0] =	vst v63  }
0x31: {  	_ =	swait.ge [sflag:s13], $0x400  }
0x32: {  	s17 =	simm.s32 $0x200;
	[sflag:s13] =	ssyncset.done $0x0  }
.LBB2_4:
0x33: {  	s18 =	sshra.s32 s17, $0x2  }
0x34: {  	[sflag:s13] =	ssyncadd.s32 $0xFFFFFC00;
	s16 =	sadd.s32 $0x400, s16;
	p0 =	sne.s32 s17, $0x4E00  }
0x35: {  	[spmem:s2] =	stream.indirect.scatter.add.f32 [tilespmem:s16], [sflag:$0x1], $0x8, s18, s14, $0xb8;
	[tilespmem:$0xC7C0] =	vst v63  }
.Ltmp1:
0x36: {  	_ = 	snop;
	(pc) =	sbr.rel @p0 .LBB2_4-.Ltmp1, $4  }
0x37: {  	_ = 	snop  }
0x38: {  	s17 =	sadd.s32 $0x200, s17  }
0x39: {  	_ =	swait.ge [sflag:s13], $0x400  }
0x3a: {  	[sflag:s13] =	ssyncset.done $0x0  }
0x3b: {  	s15 =	sadd.s32 $0x1, s15  }
0x3c: {  	[sflag:s13] =	ssyncadd.s32 $0xFFFFFC00;
	p0 =	sne.s32 s15, s11  }
.Ltmp2:
0x3d: {  	[bflag:$0x0] =	sbarrier.arrive $0xFFFF;
	(pc) =	sbr.rel @p0 .LBB2_1-.Ltmp2, $4  }
0x3e: {  	[hbm:s10], [sflag:s5] =	dma.local [spmem:s12], $0x278  }
0x3f: {  	_ =	swait.ge [sflag:s13], $0x278  }
0x40: {  	[sflag:s13] =	ssyncset.done $0x0  }
0x41: {  	[sflag:s13] =	ssyncadd.s32 $0xFFFFFD88  }
0x42: {  	_ =	sfence.sel $0x180000  }
0x43: {  	[bflag:$0x0] =	sbarrier.arrive $0xFFFF  }
0x44: {  	p0 =	sne.s32 s0, $0x0;
	_ =	strace $0x9000004A  }
0x45: {  	s0 =	sadd.s32 @!p0 $0x100000, s1;
	[bflag:$0x2] =	sbarrier.arrive $0xFFFF  }
0x46: {  	[sflag:s0] =	ssyncadd.tile.s32 @!p0 $0x1;
	_ =	shalt  }
.Lfunc_end2:
_tile_overlayer_lowered:
.L_overlay_start_2:
0x47: {  	(tag) =	ssettag $0x2  }
0x48: {  	s0 =	rddreg [dreg:$0x0];
	s2 =	stileid.u32  }
0x49: {  	s1 =	rddreg [dreg:$0x1];
	p0 =	sne.s32 s2, $0x0  }
0x4a: {  	s3 =	rddreg [dreg:$0x2];
	[bflag:$0x3] =	sbarrier.arrive $0xFFFF;
	s2 =	simm.s32 @!p0 $0x1C01  }
0x4b: {  	[timem:s3], [sflag:s2] =	dma.local @!p0 [hbm:s0], s1  }
0x4c: {  	s0 =	simm.s32 @!p0 $0x1  }
0x4d: {  	_ =	swait.ge @!p0 [sflag:s0], s1  }
0x4e: {  	s1 =	ssub.s32 @!p0 $0x0, s1;
	[sflag:s0] =	ssyncset.done @!p0 $0x0  }
0x4f: {  	[sflag:s0] =	ssyncadd.s32 @!p0 s1  }
0x50: {  	[bflag:$0x3] =	sbarrier.arrive $0xFFFF  }
0x51: {  	_ =	shalt  }

</sc_bundles>
